<compile_context>
chip_gen: v7x
topology: tpu7x:2x2x1
jax: 0.10.2.dev20260603
libtpu: 0.0.44.dev20260713+nightly
codegen_flags: <defaults>
</compile_context>

<pallas_src>
import jax
import jax.numpy as jnp
from jax import lax
from jax.experimental import pallas as pl
from jax.experimental.pallas import tpu as pltpu
from jax.experimental.pallas import tpu_sc as plsc

_ALPHA = -20.0
_LOG2E = 1.4426950408889634
_K = 512
_NC = _K // 16
_ROWS = 2048 * 64
_NW = 32
_RPW = _ROWS // _NW
_BLK = 4096


def _tc_soft_kernel(x_ref, bins_ref, w_ref, soft_ref):
    x = x_ref[:, :]
    b = bins_ref[:, :]
    e = jnp.exp2((_ALPHA * _LOG2E) * jnp.abs(x - b))
    sn = jnp.dot(e, w_ref[:, :], preferred_element_type=jnp.float32)
    r = 1.0 / sn[:, 0:1]
    soft_ref[:, :] = e * r


def _tc_soft(x2, b2, w):
    return pl.pallas_call(
        _tc_soft_kernel,
        grid=(_ROWS // _BLK,),
        in_specs=[
            pl.BlockSpec((_BLK, 1), lambda i: (i, 0)),
            pl.BlockSpec((1, _K), lambda i: (0, 0)),
            pl.BlockSpec((_K, 128), lambda i: (0, 0)),
        ],
        out_specs=pl.BlockSpec((_BLK, _K), lambda i: (i, 0)),
        out_shape=jax.ShapeDtypeStruct((_ROWS, _K), jnp.float32),
        compiler_params=pltpu.CompilerParams(
            dimension_semantics=("parallel",),
        ),
    )(x2, b2, w)


def _sc_code_body(x_hbm, bins_hbm, code_hbm, x_v, bins_v, code_v):
    c = lax.axis_index("c")
    s = lax.axis_index("s")
    wid = s * 2 + c
    row0 = wid * _RPW
    pltpu.sync_copy(x_hbm.at[pl.ds(row0, _RPW)], x_v.at[pl.ds(0, _RPW)])
    pltpu.sync_copy(bins_hbm, bins_v)

    zero_idx = jnp.zeros((16,), jnp.int32)
    rot_idx = [
        (jnp.arange(16, dtype=jnp.int32) + sh) % 16 for sh in (8, 4, 2, 1)
    ]

    def _allsum(v):
        for idx in rot_idx:
            v = v + v.at[idx].get(mode="promise_in_bounds")
        return v

    def row_body(row, carry):
        x16 = x_v[pl.ds(row, 16)]
        xv = x16.at[zero_idx].get(mode="promise_in_bounds")
        sa = [jnp.zeros((16,), jnp.float32) for _ in range(4)]
        na = [jnp.zeros((16,), jnp.float32) for _ in range(4)]
        for j in range(_NC):
            bj = bins_v[pl.ds(j * 16, 16)]
            e = jnp.exp(_ALPHA * jnp.abs(xv - bj))
            sa[j % 4] = sa[j % 4] + e
            na[j % 4] = na[j % 4] + e * bj
        sacc = (sa[0] + sa[1]) + (sa[2] + sa[3])
        nacc = (na[0] + na[1]) + (na[2] + na[3])
        code_v[pl.ds(row, 16)] = _allsum(nacc) / _allsum(sacc)
        return carry

    lax.fori_loop(0, _RPW, row_body, 0)
    pltpu.sync_copy(code_v.at[pl.ds(0, _RPW)], code_hbm.at[pl.ds(row0, _RPW)])


def _sc_code(xf, bins):
    mesh = plsc.VectorSubcoreMesh(core_axis_name="c", subcore_axis_name="s")
    f = pl.kernel(
        _sc_code_body,
        mesh=mesh,
        out_type=jax.ShapeDtypeStruct((_ROWS,), jnp.float32),
        scratch_types=[
            pltpu.VMEM((_RPW + 16,), jnp.float32),
            pltpu.VMEM((_K,), jnp.float32),
            pltpu.VMEM((_RPW + 16,), jnp.float32),
        ],
    )
    return f(xf, bins)


def kernel(x, bins):
    n, length, _ = x.shape
    rows = n * length
    x2 = x.reshape(rows, 1)
    b2 = bins.reshape(1, _K)
    w = jnp.zeros((_K, 128), jnp.float32)
    w = w.at[:, 0].set(1.0)
    code = _sc_code(x.reshape(rows), bins)
    soft = _tc_soft(x2, b2, w)
    return soft.reshape(n, length, _K), code.reshape(n, length, 1)

# --- scband reference (transcript-rebuilt; emitter-appended) ---
"""Pipeline reference for scband-scalar-softmax-quantization-36687610642751 (READ-ONLY COPY).

The authoritative reference and input builder live on the scoring server;
editing this copy changes nothing except your own understanding.
"""

import jax, jax.numpy as jnp
import numpy as np

ALPHA = -20.0
IS_QUAN_ON = 1.0
CODE_LENGTH = 64
NUM_KMEAN_KERNELS = 512


def setup_inputs(seed: int = 0) -> dict:
    key = jax.random.key(seed)
    k1, k2 = jax.random.split(key)
    x = jax.random.normal(k1, (2048, CODE_LENGTH, 1), dtype=jnp.float32)
    bins = jax.random.normal(k2, (NUM_KMEAN_KERNELS,), dtype=jnp.float32)
    return {"x": x, "bins": bins}


def reference(x, bins):
    # floating_code: [N, code_length, 1]; bins_expand: [1, 1, K]
    floating_code = x
    bins_expand = jnp.reshape(bins, (1, 1, -1))
    dist = jnp.abs(floating_code - bins_expand)  # [N, L, K]
    bottle_neck_size = floating_code.shape[1]
    # softmax(alpha * dist) along bins axis; alpha < 0 -> soft nearest-bin assignment
    soft_assignment = jax.nn.softmax(ALPHA * dist, axis=-1)  # [N, L, K]
    soft_assignment_3d = soft_assignment
    # hard assignment: one-hot of top-1 index (eval path)
    hard_idx = jnp.argmax(soft_assignment, axis=-1)  # [N, L]
    hard_assignment = jax.nn.one_hot(hard_idx, NUM_KMEAN_KERNELS, dtype=soft_assignment.dtype)
    hard_assignment = jnp.reshape(hard_assignment, (-1, CODE_LENGTH, NUM_KMEAN_KERNELS))
    # training mode: use soft assignment (module uses soft if self.training)
    assignment = soft_assignment
    bit_code = jnp.reshape(jnp.matmul(assignment, jnp.expand_dims(bins, 1)), (-1, bottle_neck_size, 1))
    bit_code = ((1.0 - IS_QUAN_ON) * floating_code).astype(jnp.float32) + (IS_QUAN_ON * bit_code).astype(jnp.float32)
    bit_code = jnp.reshape(bit_code, (-1, bottle_neck_size, 1))
    return (soft_assignment_3d, bit_code)

if __name__ == "__main__":
    import jax
    _d = setup_inputs()
    print(jax.jit(kernel)(*tuple(_d.values())))

</pallas_src>

<mosaic_0001>
#map = affine_map<(d0, d1) -> (0)>
module attributes {stable_mosaic.version = 14 : i64} {
  func.func @_sc_code_body(%arg0: i32, %arg1: i32, %arg2: memref<131072xf32, #tpu.memory_space<hbm>>, %arg3: memref<512xf32, #tpu.memory_space<hbm>>, %arg4: memref<131072xf32, #tpu.memory_space<hbm>>, %arg5: memref<4112xf32, #tpu.memory_space<vmem>>, %arg6: memref<512xf32, #tpu.memory_space<vmem>>, %arg7: memref<4112xf32, #tpu.memory_space<vmem>>) attributes {dimension_semantics = [#tpu.dimension_semantics<core_parallel>, #tpu.dimension_semantics<subcore_parallel>], iteration_bounds = array<i64: 2, 16>, scalar_prefetch = 0 : i64, scratch_operands = 3 : i64, tpu.core_type = #tpu.core_type<sc_vector_subcore>, window_params = [{transform_indices = #map}, {transform_indices = #map}, {transform_indices = #map}]} {
    %mul3A = arith.constant 2 : i32
    %mul3A_0 = arith.muli %arg1, %mul3A : i32
    %add3A = arith.addi %mul3A_0, %arg0 : i32
    %mul3A_1 = arith.constant 4096 : i32
    %mul3A_2 = arith.muli %add3A, %mul3A_1 : i32
    "tpu.region"() ({
      %run_scoped3A = tpu.sem_alloc : memref<!tpu.dma_semaphore, #tpu.memory_space<semaphore_mem>>
      %dma_start3A = arith.constant 0 : i32
      %dma_start3A_105 = tpu.memref_slice %arg5[%dma_start3A] : memref<4112xf32, #tpu.memory_space<vmem>> -> memref<4096xf32, #tpu.memory_space<vmem>>
      %dma_start3A_106 = tpu.memref_slice %arg2[%mul3A_2] : memref<131072xf32, #tpu.memory_space<hbm>> -> memref<4096xf32, #tpu.memory_space<hbm>>
      %dma_start3A_107 = arith.constant 0 : i32
      %dma_start3A_108 = tpu.memref_slice %arg5[%dma_start3A_107] : memref<4112xf32, #tpu.memory_space<vmem>> -> memref<4096xf32, #tpu.memory_space<vmem>>
      %dma_start3A_109 = tpu.memref_slice %arg2[%mul3A_2] : memref<131072xf32, #tpu.memory_space<hbm>> -> memref<4096xf32, #tpu.memory_space<hbm>>
      tpu.enqueue_dma source(%dma_start3A_109 : memref<4096xf32, #tpu.memory_space<hbm>>) target(%dma_start3A_108 : memref<4096xf32, #tpu.memory_space<vmem>>) target_semaphore(%run_scoped3A : memref<!tpu.dma_semaphore, #tpu.memory_space<semaphore_mem>>)
      %dma_wait3A = arith.constant 0 : i32
      %dma_wait3A_110 = tpu.memref_slice %arg5[%dma_wait3A] : memref<4112xf32, #tpu.memory_space<vmem>> -> memref<4096xf32, #tpu.memory_space<vmem>>
      %dma_wait3A_111 = tpu.memref_slice %arg2[%mul3A_2] : memref<131072xf32, #tpu.memory_space<hbm>> -> memref<4096xf32, #tpu.memory_space<hbm>>
      %dma_wait3A_112 = arith.constant 0 : i32
      %dma_wait3A_113 = tpu.memref_slice %arg5[%dma_wait3A_112] : memref<4112xf32, #tpu.memory_space<vmem>> -> memref<4096xf32, #tpu.memory_space<vmem>>
      %dma_wait3A_114 = tpu.memref_slice %arg2[%mul3A_2] : memref<131072xf32, #tpu.memory_space<hbm>> -> memref<4096xf32, #tpu.memory_space<hbm>>
      tpu.wait_dma2 semaphore(%run_scoped3A : memref<!tpu.dma_semaphore, #tpu.memory_space<semaphore_mem>>) src(%dma_wait3A_114 : memref<4096xf32, #tpu.memory_space<hbm>>) dst(%dma_wait3A_113 : memref<4096xf32, #tpu.memory_space<vmem>>)
      tpu.yield
    }) : () -> ()
    "tpu.region"() ({
      %run_scoped3A = tpu.sem_alloc : memref<!tpu.dma_semaphore, #tpu.memory_space<semaphore_mem>>
      tpu.enqueue_dma source(%arg3 : memref<512xf32, #tpu.memory_space<hbm>>) target(%arg6 : memref<512xf32, #tpu.memory_space<vmem>>) target_semaphore(%run_scoped3A : memref<!tpu.dma_semaphore, #tpu.memory_space<semaphore_mem>>)
      tpu.wait_dma2 semaphore(%run_scoped3A : memref<!tpu.dma_semaphore, #tpu.memory_space<semaphore_mem>>) src(%arg3 : memref<512xf32, #tpu.memory_space<hbm>>) dst(%arg6 : memref<512xf32, #tpu.memory_space<vmem>>)
      tpu.yield
    }) : () -> ()
    %broadcast_in_dim3A = arith.constant 0 : i32
    %broadcast_in_dim3A_3 = vector.broadcast %broadcast_in_dim3A : i32 to vector<16xi32>
    %iota3A = tpu.iota {dimensions = array<i32: 0>} : vector<16xi32>
    %add3A_4 = arith.constant 8 : i32
    %add3A_5 = vector.broadcast %add3A_4 : i32 to vector<16xi32>
    %add3A_6 = arith.addi %iota3A, %add3A_5 : vector<16xi32>
    %jit3A = arith.constant 16 : i32
    %eq3A = arith.constant 0 : i32
    %eq3A_7 = arith.cmpi eq, %jit3A, %eq3A : i32
    %jit3A_8 = arith.constant 1 : i32
    %select_n3A = arith.select %eq3A_7, %jit3A_8, %jit3A : i32
    %rem3A = vector.broadcast %select_n3A : i32 to vector<16xi32>
    %rem3A_9 = arith.remsi %add3A_6, %rem3A : vector<16xi32>
    %ne3A = arith.constant 0 : i32
    %ne3A_10 = vector.broadcast %ne3A : i32 to vector<16xi32>
    %ne3A_11 = arith.cmpi ne, %rem3A_9, %ne3A_10 : vector<16xi32>
    %lt3A = arith.constant 0 : i32
    %lt3A_12 = vector.broadcast %lt3A : i32 to vector<16xi32>
    %lt3A_13 = arith.cmpi slt, %rem3A_9, %lt3A_12 : vector<16xi32>
    %lt3A_14 = arith.constant 0 : i32
    %lt3A_15 = arith.cmpi slt, %select_n3A, %lt3A_14 : i32
    %ne3A_16 = vector.broadcast %lt3A_15 : i1 to vector<16xi1>
    %ne3A_17 = vector.broadcast %ne3A_16 : vector<16xi1> to vector<16xi1>
    %ne3A_18 = arith.xori %lt3A_13, %ne3A_17 : vector<16xi1>
    %and3A = arith.andi %ne3A_18, %ne3A_11 : vector<16xi1>
    %add3A_19 = vector.broadcast %select_n3A : i32 to vector<16xi32>
    %add3A_20 = arith.addi %rem3A_9, %add3A_19 : vector<16xi32>
    %select_n3A_21 = arith.select %and3A, %add3A_20, %rem3A_9 : vector<16xi1>, vector<16xi32>
    %iota3A_22 = tpu.iota {dimensions = array<i32: 0>} : vector<16xi32>
    %add3A_23 = arith.constant 4 : i32
    %add3A_24 = vector.broadcast %add3A_23 : i32 to vector<16xi32>
    %add3A_25 = arith.addi %iota3A_22, %add3A_24 : vector<16xi32>
    %jit3A_26 = arith.constant 16 : i32
    %eq3A_27 = arith.constant 0 : i32
    %eq3A_28 = arith.cmpi eq, %jit3A_26, %eq3A_27 : i32
    %jit3A_29 = arith.constant 1 : i32
    %select_n3A_30 = arith.select %eq3A_28, %jit3A_29, %jit3A_26 : i32
    %rem3A_31 = vector.broadcast %select_n3A_30 : i32 to vector<16xi32>
    %rem3A_32 = arith.remsi %add3A_25, %rem3A_31 : vector<16xi32>
    %ne3A_33 = arith.constant 0 : i32
    %ne3A_34 = vector.broadcast %ne3A_33 : i32 to vector<16xi32>
    %ne3A_35 = arith.cmpi ne, %rem3A_32, %ne3A_34 : vector<16xi32>
    %lt3A_36 = arith.constant 0 : i32
    %lt3A_37 = vector.broadcast %lt3A_36 : i32 to vector<16xi32>
    %lt3A_38 = arith.cmpi slt, %rem3A_32, %lt3A_37 : vector<16xi32>
    %lt3A_39 = arith.constant 0 : i32
    %lt3A_40 = arith.cmpi slt, %select_n3A_30, %lt3A_39 : i32
    %ne3A_41 = vector.broadcast %lt3A_40 : i1 to vector<16xi1>
    %ne3A_42 = vector.broadcast %ne3A_41 : vector<16xi1> to vector<16xi1>
    %ne3A_43 = arith.xori %lt3A_38, %ne3A_42 : vector<16xi1>
    %and3A_44 = arith.andi %ne3A_43, %ne3A_35 : vector<16xi1>
    %add3A_45 = vector.broadcast %select_n3A_30 : i32 to vector<16xi32>
    %add3A_46 = arith.addi %rem3A_32, %add3A_45 : vector<16xi32>
    %select_n3A_47 = arith.select %and3A_44, %add3A_46, %rem3A_32 : vector<16xi1>, vector<16xi32>
    %iota3A_48 = tpu.iota {dimensions = array<i32: 0>} : vector<16xi32>
    %add3A_49 = arith.constant 2 : i32
    %add3A_50 = vector.broadcast %add3A_49 : i32 to vector<16xi32>
    %add3A_51 = arith.addi %iota3A_48, %add3A_50 : vector<16xi32>
    %jit3A_52 = arith.constant 16 : i32
    %eq3A_53 = arith.constant 0 : i32
    %eq3A_54 = arith.cmpi eq, %jit3A_52, %eq3A_53 : i32
    %jit3A_55 = arith.constant 1 : i32
    %select_n3A_56 = arith.select %eq3A_54, %jit3A_55, %jit3A_52 : i32
    %rem3A_57 = vector.broadcast %select_n3A_56 : i32 to vector<16xi32>
    %rem3A_58 = arith.remsi %add3A_51, %rem3A_57 : vector<16xi32>
    %ne3A_59 = arith.constant 0 : i32
    %ne3A_60 = vector.broadcast %ne3A_59 : i32 to vector<16xi32>
    %ne3A_61 = arith.cmpi ne, %rem3A_58, %ne3A_60 : vector<16xi32>
    %lt3A_62 = arith.constant 0 : i32
    %lt3A_63 = vector.broadcast %lt3A_62 : i32 to vector<16xi32>
    %lt3A_64 = arith.cmpi slt, %rem3A_58, %lt3A_63 : vector<16xi32>
    %lt3A_65 = arith.constant 0 : i32
    %lt3A_66 = arith.cmpi slt, %select_n3A_56, %lt3A_65 : i32
    %ne3A_67 = vector.broadcast %lt3A_66 : i1 to vector<16xi1>
    %ne3A_68 = vector.broadcast %ne3A_67 : vector<16xi1> to vector<16xi1>
    %ne3A_69 = arith.xori %lt3A_64, %ne3A_68 : vector<16xi1>
    %and3A_70 = arith.andi %ne3A_69, %ne3A_61 : vector<16xi1>
    %add3A_71 = vector.broadcast %select_n3A_56 : i32 to vector<16xi32>
    %add3A_72 = arith.addi %rem3A_58, %add3A_71 : vector<16xi32>
    %select_n3A_73 = arith.select %and3A_70, %add3A_72, %rem3A_58 : vector<16xi1>, vector<16xi32>
    %iota3A_74 = tpu.iota {dimensions = array<i32: 0>} : vector<16xi32>
    %add3A_75 = arith.constant 1 : i32
    %add3A_76 = vector.broadcast %add3A_75 : i32 to vector<16xi32>
    %add3A_77 = arith.addi %iota3A_74, %add3A_76 : vector<16xi32>
    %jit3A_78 = arith.constant 16 : i32
    %eq3A_79 = arith.constant 0 : i32
    %eq3A_80 = arith.cmpi eq, %jit3A_78, %eq3A_79 : i32
    %jit3A_81 = arith.constant 1 : i32
    %select_n3A_82 = arith.select %eq3A_80, %jit3A_81, %jit3A_78 : i32
    %rem3A_83 = vector.broadcast %select_n3A_82 : i32 to vector<16xi32>
    %rem3A_84 = arith.remsi %add3A_77, %rem3A_83 : vector<16xi32>
    %ne3A_85 = arith.constant 0 : i32
    %ne3A_86 = vector.broadcast %ne3A_85 : i32 to vector<16xi32>
    %ne3A_87 = arith.cmpi ne, %rem3A_84, %ne3A_86 : vector<16xi32>
    %lt3A_88 = arith.constant 0 : i32
    %lt3A_89 = vector.broadcast %lt3A_88 : i32 to vector<16xi32>
    %lt3A_90 = arith.cmpi slt, %rem3A_84, %lt3A_89 : vector<16xi32>
    %lt3A_91 = arith.constant 0 : i32
    %lt3A_92 = arith.cmpi slt, %select_n3A_82, %lt3A_91 : i32
    %ne3A_93 = vector.broadcast %lt3A_92 : i1 to vector<16xi1>
    %ne3A_94 = vector.broadcast %ne3A_93 : vector<16xi1> to vector<16xi1>
    %ne3A_95 = arith.xori %lt3A_90, %ne3A_94 : vector<16xi1>
    %and3A_96 = arith.andi %ne3A_95, %ne3A_87 : vector<16xi1>
    %add3A_97 = vector.broadcast %select_n3A_82 : i32 to vector<16xi32>
    %add3A_98 = arith.addi %rem3A_84, %add3A_97 : vector<16xi32>
    %select_n3A_99 = arith.select %and3A_96, %add3A_98, %rem3A_84 : vector<16xi1>, vector<16xi32>
    %scan3A = arith.constant 0 : i32
    %scan3A_100 = arith.constant 0 : i32
    %scan3A_101 = arith.constant 4096 : i32
    %scan3A_102 = arith.addi %scan3A_100, %scan3A_101 : i32
    %scan3A_103 = arith.constant 1 : i32
    scf.for %scan3A_105 = %scan3A_100 to %scan3A_102 step %scan3A_103  : i32 {
      %get3A = arith.index_cast %scan3A_105 : i32 to index
      %get3A_106 = tpu.vector_load %arg5[%get3A] {strides = array<i32>} : memref<4112xf32, #tpu.memory_space<vmem>>, vector<16xf32>,
      %get3A_107 = vector.shape_cast %get3A_106 : vector<16xf32> to vector<16xf32>
      %lt3A_108 = arith.constant 0 : i32
      %lt3A_109 = vector.broadcast %lt3A_108 : i32 to vector<16xi32>
      %lt3A_110 = arith.cmpi slt, %broadcast_in_dim3A_3, %lt3A_109 : vector<16xi32>
      %add3A_111 = arith.constant 16 : i32
      %add3A_112 = vector.broadcast %add3A_111 : i32 to vector<16xi32>
      %add3A_113 = arith.addi %broadcast_in_dim3A_3, %add3A_112 : vector<16xi32>
      %select_n3A_114 = arith.select %lt3A_110, %add3A_113, %broadcast_in_dim3A_3 : vector<16xi1>, vector<16xi32>
      %broadcast_in_dim3A_115 = vector.shape_cast %select_n3A_114 : vector<16xi32> to vector<16x1xi32>
      %gather3A = vector.shape_cast %broadcast_in_dim3A_115 : vector<16x1xi32> to vector<16xi32>
      %gather3A_116 = tpu.dynamic_gather %get3A_107[%gather3A] in [0] : vector<16xf32>, vector<16xi32> -> vector<16xf32>
      %broadcast_in_dim3A_117 = arith.constant 0.000000e+00 : f32
      %broadcast_in_dim3A_118 = vector.broadcast %broadcast_in_dim3A_117 : f32 to vector<16xf32>
      %broadcast_in_dim3A_119 = arith.constant 0.000000e+00 : f32
      %broadcast_in_dim3A_120 = vector.broadcast %broadcast_in_dim3A_119 : f32 to vector<16xf32>
      %broadcast_in_dim3A_121 = arith.constant 0.000000e+00 : f32
      %broadcast_in_dim3A_122 = vector.broadcast %broadcast_in_dim3A_121 : f32 to vector<16xf32>
      %broadcast_in_dim3A_123 = arith.constant 0.000000e+00 : f32
      %broadcast_in_dim3A_124 = vector.broadcast %broadcast_in_dim3A_123 : f32 to vector<16xf32>
      %broadcast_in_dim3A_125 = arith.constant 0.000000e+00 : f32
      %broadcast_in_dim3A_126 = vector.broadcast %broadcast_in_dim3A_125 : f32 to vector<16xf32>
      %broadcast_in_dim3A_127 = arith.constant 0.000000e+00 : f32
      %broadcast_in_dim3A_128 = vector.broadcast %broadcast_in_dim3A_127 : f32 to vector<16xf32>
      %broadcast_in_dim3A_129 = arith.constant 0.000000e+00 : f32
      %broadcast_in_dim3A_130 = vector.broadcast %broadcast_in_dim3A_129 : f32 to vector<16xf32>
      %broadcast_in_dim3A_131 = arith.constant 0.000000e+00 : f32
      %broadcast_in_dim3A_132 = vector.broadcast %broadcast_in_dim3A_131 : f32 to vector<16xf32>
      %get3A_133 = arith.constant 0 : index
      %get3A_134 = tpu.vector_load %arg6[%get3A_133] {strides = array<i32>} : memref<512xf32, #tpu.memory_space<vmem>>, vector<16xf32>,
      %get3A_135 = vector.shape_cast %get3A_134 : vector<16xf32> to vector<16xf32>
      %sub3A = arith.subf %gather3A_116, %get3A_135 : vector<16xf32>
      %abs3A = math.absf %sub3A : vector<16xf32>
      %mul3A_136 = arith.constant -2.000000e+01 : f32
      %mul3A_137 = vector.broadcast %mul3A_136 : f32 to vector<16xf32>
      %mul3A_138 = arith.mulf %mul3A_137, %abs3A : vector<16xf32>
      %exp3A = math.exp %mul3A_138 : vector<16xf32>
      %add3A_139 = arith.addf %broadcast_in_dim3A_118, %exp3A : vector<16xf32>
      %mul3A_140 = arith.mulf %exp3A, %get3A_135 : vector<16xf32>
      %add3A_141 = arith.addf %broadcast_in_dim3A_126, %mul3A_140 : vector<16xf32>
      %get3A_142 = arith.constant 16 : index
      %get3A_143 = tpu.vector_load %arg6[%get3A_142] {strides = array<i32>} : memref<512xf32, #tpu.memory_space<vmem>>, vector<16xf32>,
      %get3A_144 = vector.shape_cast %get3A_143 : vector<16xf32> to vector<16xf32>
      %sub3A_145 = arith.subf %gather3A_116, %get3A_144 : vector<16xf32>
      %abs3A_146 = math.absf %sub3A_145 : vector<16xf32>
      %mul3A_147 = arith.constant -2.000000e+01 : f32
      %mul3A_148 = vector.broadcast %mul3A_147 : f32 to vector<16xf32>
      %mul3A_149 = arith.mulf %mul3A_148, %abs3A_146 : vector<16xf32>
      %exp3A_150 = math.exp %mul3A_149 : vector<16xf32>
      %add3A_151 = arith.addf %broadcast_in_dim3A_120, %exp3A_150 : vector<16xf32>
      %mul3A_152 = arith.mulf %exp3A_150, %get3A_144 : vector<16xf32>
      %add3A_153 = arith.addf %broadcast_in_dim3A_128, %mul3A_152 : vector<16xf32>
      %get3A_154 = arith.constant 32 : index
      %get3A_155 = tpu.vector_load %arg6[%get3A_154] {strides = array<i32>} : memref<512xf32, #tpu.memory_space<vmem>>, vector<16xf32>,
      %get3A_156 = vector.shape_cast %get3A_155 : vector<16xf32> to vector<16xf32>
      %sub3A_157 = arith.subf %gather3A_116, %get3A_156 : vector<16xf32>
      %abs3A_158 = math.absf %sub3A_157 : vector<16xf32>
      %mul3A_159 = arith.constant -2.000000e+01 : f32
      %mul3A_160 = vector.broadcast %mul3A_159 : f32 to vector<16xf32>
      %mul3A_161 = arith.mulf %mul3A_160, %abs3A_158 : vector<16xf32>
      %exp3A_162 = math.exp %mul3A_161 : vector<16xf32>
      %add3A_163 = arith.addf %broadcast_in_dim3A_122, %exp3A_162 : vector<16xf32>
      %mul3A_164 = arith.mulf %exp3A_162, %get3A_156 : vector<16xf32>
      %add3A_165 = arith.addf %broadcast_in_dim3A_130, %mul3A_164 : vector<16xf32>
      %get3A_166 = arith.constant 48 : index
      %get3A_167 = tpu.vector_load %arg6[%get3A_166] {strides = array<i32>} : memref<512xf32, #tpu.memory_space<vmem>>, vector<16xf32>,
      %get3A_168 = vector.shape_cast %get3A_167 : vector<16xf32> to vector<16xf32>
      %sub3A_169 = arith.subf %gather3A_116, %get3A_168 : vector<16xf32>
      %abs3A_170 = math.absf %sub3A_169 : vector<16xf32>
      %mul3A_171 = arith.constant -2.000000e+01 : f32
      %mul3A_172 = vector.broadcast %mul3A_171 : f32 to vector<16xf32>
      %mul3A_173 = arith.mulf %mul3A_172, %abs3A_170 : vector<16xf32>
      %exp3A_174 = math.exp %mul3A_173 : vector<16xf32>
      %add3A_175 = arith.addf %broadcast_in_dim3A_124, %exp3A_174 : vector<16xf32>
      %mul3A_176 = arith.mulf %exp3A_174, %get3A_168 : vector<16xf32>
      %add3A_177 = arith.addf %broadcast_in_dim3A_132, %mul3A_176 : vector<16xf32>
      %get3A_178 = arith.constant 64 : index
      %get3A_179 = tpu.vector_load %arg6[%get3A_178] {strides = array<i32>} : memref<512xf32, #tpu.memory_space<vmem>>, vector<16xf32>,
      %get3A_180 = vector.shape_cast %get3A_179 : vector<16xf32> to vector<16xf32>
      %sub3A_181 = arith.subf %gather3A_116, %get3A_180 : vector<16xf32>
      %abs3A_182 = math.absf %sub3A_181 : vector<16xf32>
      %mul3A_183 = arith.constant -2.000000e+01 : f32
      %mul3A_184 = vector.broadcast %mul3A_183 : f32 to vector<16xf32>
      %mul3A_185 = arith.mulf %mul3A_184, %abs3A_182 : vector<16xf32>
      %exp3A_186 = math.exp %mul3A_185 : vector<16xf32>
      %add3A_187 = arith.addf %add3A_139, %exp3A_186 : vector<16xf32>
      %mul3A_188 = arith.mulf %exp3A_186, %get3A_180 : vector<16xf32>
      %add3A_189 = arith.addf %add3A_141, %mul3A_188 : vector<16xf32>
      %get3A_190 = arith.constant 80 : index
      %get3A_191 = tpu.vector_load %arg6[%get3A_190] {strides = array<i32>} : memref<512xf32, #tpu.memory_space<vmem>>, vector<16xf32>,
      %get3A_192 = vector.shape_cast %get3A_191 : vector<16xf32> to vector<16xf32>
      %sub3A_193 = arith.subf %gather3A_116, %get3A_192 : vector<16xf32>
      %abs3A_194 = math.absf %sub3A_193 : vector<16xf32>
      %mul3A_195 = arith.constant -2.000000e+01 : f32
      %mul3A_196 = vector.broadcast %mul3A_195 : f32 to vector<16xf32>
      %mul3A_197 = arith.mulf %mul3A_196, %abs3A_194 : vector<16xf32>
      %exp3A_198 = math.exp %mul3A_197 : vector<16xf32>
      %add3A_199 = arith.addf %add3A_151, %exp3A_198 : vector<16xf32>
      %mul3A_200 = arith.mulf %exp3A_198, %get3A_192 : vector<16xf32>
      %add3A_201 = arith.addf %add3A_153, %mul3A_200 : vector<16xf32>
      %get3A_202 = arith.constant 96 : index
      %get3A_203 = tpu.vector_load %arg6[%get3A_202] {strides = array<i32>} : memref<512xf32, #tpu.memory_space<vmem>>, vector<16xf32>,
      %get3A_204 = vector.shape_cast %get3A_203 : vector<16xf32> to vector<16xf32>
      %sub3A_205 = arith.subf %gather3A_116, %get3A_204 : vector<16xf32>
      %abs3A_206 = math.absf %sub3A_205 : vector<16xf32>
      %mul3A_207 = arith.constant -2.000000e+01 : f32
      %mul3A_208 = vector.broadcast %mul3A_207 : f32 to vector<16xf32>
      %mul3A_209 = arith.mulf %mul3A_208, %abs3A_206 : vector<16xf32>
      %exp3A_210 = math.exp %mul3A_209 : vector<16xf32>
      %add3A_211 = arith.addf %add3A_163, %exp3A_210 : vector<16xf32>
      %mul3A_212 = arith.mulf %exp3A_210, %get3A_204 : vector<16xf32>
      %add3A_213 = arith.addf %add3A_165, %mul3A_212 : vector<16xf32>
      %get3A_214 = arith.constant 112 : index
      %get3A_215 = tpu.vector_load %arg6[%get3A_214] {strides = array<i32>} : memref<512xf32, #tpu.memory_space<vmem>>, vector<16xf32>,
      %get3A_216 = vector.shape_cast %get3A_215 : vector<16xf32> to vector<16xf32>
      %sub3A_217 = arith.subf %gather3A_116, %get3A_216 : vector<16xf32>
      %abs3A_218 = math.absf %sub3A_217 : vector<16xf32>
      %mul3A_219 = arith.constant -2.000000e+01 : f32
      %mul3A_220 = vector.broadcast %mul3A_219 : f32 to vector<16xf32>
      %mul3A_221 = arith.mulf %mul3A_220, %abs3A_218 : vector<16xf32>
      %exp3A_222 = math.exp %mul3A_221 : vector<16xf32>
      %add3A_223 = arith.addf %add3A_175, %exp3A_222 : vector<16xf32>
      %mul3A_224 = arith.mulf %exp3A_222, %get3A_216 : vector<16xf32>
      %add3A_225 = arith.addf %add3A_177, %mul3A_224 : vector<16xf32>
      %get3A_226 = arith.constant 128 : index
      %get3A_227 = tpu.vector_load %arg6[%get3A_226] {strides = array<i32>} : memref<512xf32, #tpu.memory_space<vmem>>, vector<16xf32>,
      %get3A_228 = vector.shape_cast %get3A_227 : vector<16xf32> to vector<16xf32>
      %sub3A_229 = arith.subf %gather3A_116, %get3A_228 : vector<16xf32>
      %abs3A_230 = math.absf %sub3A_229 : vector<16xf32>
      %mul3A_231 = arith.constant -2.000000e+01 : f32
      %mul3A_232 = vector.broadcast %mul3A_231 : f32 to vector<16xf32>
      %mul3A_233 = arith.mulf %mul3A_232, %abs3A_230 : vector<16xf32>
      %exp3A_234 = math.exp %mul3A_233 : vector<16xf32>
      %add3A_235 = arith.addf %add3A_187, %exp3A_234 : vector<16xf32>
      %mul3A_236 = arith.mulf %exp3A_234, %get3A_228 : vector<16xf32>
      %add3A_237 = arith.addf %add3A_189, %mul3A_236 : vector<16xf32>
      %get3A_238 = arith.constant 144 : index
      %get3A_239 = tpu.vector_load %arg6[%get3A_238] {strides = array<i32>} : memref<512xf32, #tpu.memory_space<vmem>>, vector<16xf32>,
      %get3A_240 = vector.shape_cast %get3A_239 : vector<16xf32> to vector<16xf32>
      %sub3A_241 = arith.subf %gather3A_116, %get3A_240 : vector<16xf32>
      %abs3A_242 = math.absf %sub3A_241 : vector<16xf32>
      %mul3A_243 = arith.constant -2.000000e+01 : f32
      %mul3A_244 = vector.broadcast %mul3A_243 : f32 to vector<16xf32>
      %mul3A_245 = arith.mulf %mul3A_244, %abs3A_242 : vector<16xf32>
      %exp3A_246 = math.exp %mul3A_245 : vector<16xf32>
      %add3A_247 = arith.addf %add3A_199, %exp3A_246 : vector<16xf32>
      %mul3A_248 = arith.mulf %exp3A_246, %get3A_240 : vector<16xf32>
      %add3A_249 = arith.addf %add3A_201, %mul3A_248 : vector<16xf32>
      %get3A_250 = arith.constant 160 : index
      %get3A_251 = tpu.vector_load %arg6[%get3A_250] {strides = array<i32>} : memref<512xf32, #tpu.memory_space<vmem>>, vector<16xf32>,
      %get3A_252 = vector.shape_cast %get3A_251 : vector<16xf32> to vector<16xf32>
      %sub3A_253 = arith.subf %gather3A_116, %get3A_252 : vector<16xf32>
      %abs3A_254 = math.absf %sub3A_253 : vector<16xf32>
      %mul3A_255 = arith.constant -2.000000e+01 : f32
      %mul3A_256 = vector.broadcast %mul3A_255 : f32 to vector<16xf32>
      %mul3A_257 = arith.mulf %mul3A_256, %abs3A_254 : vector<16xf32>
      %exp3A_258 = math.exp %mul3A_257 : vector<16xf32>
      %add3A_259 = arith.addf %add3A_211, %exp3A_258 : vector<16xf32>
      %mul3A_260 = arith.mulf %exp3A_258, %get3A_252 : vector<16xf32>
      %add3A_261 = arith.addf %add3A_213, %mul3A_260 : vector<16xf32>
      %get3A_262 = arith.constant 176 : index
      %get3A_263 = tpu.vector_load %arg6[%get3A_262] {strides = array<i32>} : memref<512xf32, #tpu.memory_space<vmem>>, vector<16xf32>,
      %get3A_264 = vector.shape_cast %get3A_263 : vector<16xf32> to vector<16xf32>
      %sub3A_265 = arith.subf %gather3A_116, %get3A_264 : vector<16xf32>
      %abs3A_266 = math.absf %sub3A_265 : vector<16xf32>
      %mul3A_267 = arith.constant -2.000000e+01 : f32
      %mul3A_268 = vector.broadcast %mul3A_267 : f32 to vector<16xf32>
      %mul3A_269 = arith.mulf %mul3A_268, %abs3A_266 : vector<16xf32>
      %exp3A_270 = math.exp %mul3A_269 : vector<16xf32>
      %add3A_271 = arith.addf %add3A_223, %exp3A_270 : vector<16xf32>
      %mul3A_272 = arith.mulf %exp3A_270, %get3A_264 : vector<16xf32>
      %add3A_273 = arith.addf %add3A_225, %mul3A_272 : vector<16xf32>
      %get3A_274 = arith.constant 192 : index
      %get3A_275 = tpu.vector_load %arg6[%get3A_274] {strides = array<i32>} : memref<512xf32, #tpu.memory_space<vmem>>, vector<16xf32>,
      %get3A_276 = vector.shape_cast %get3A_275 : vector<16xf32> to vector<16xf32>
      %sub3A_277 = arith.subf %gather3A_116, %get3A_276 : vector<16xf32>
      %abs3A_278 = math.absf %sub3A_277 : vector<16xf32>
      %mul3A_279 = arith.constant -2.000000e+01 : f32
      %mul3A_280 = vector.broadcast %mul3A_279 : f32 to vector<16xf32>
      %mul3A_281 = arith.mulf %mul3A_280, %abs3A_278 : vector<16xf32>
      %exp3A_282 = math.exp %mul3A_281 : vector<16xf32>
      %add3A_283 = arith.addf %add3A_235, %exp3A_282 : vector<16xf32>
      %mul3A_284 = arith.mulf %exp3A_282, %get3A_276 : vector<16xf32>
      %add3A_285 = arith.addf %add3A_237, %mul3A_284 : vector<16xf32>
      %get3A_286 = arith.constant 208 : index
      %get3A_287 = tpu.vector_load %arg6[%get3A_286] {strides = array<i32>} : memref<512xf32, #tpu.memory_space<vmem>>, vector<16xf32>,
      %get3A_288 = vector.shape_cast %get3A_287 : vector<16xf32> to vector<16xf32>
      %sub3A_289 = arith.subf %gather3A_116, %get3A_288 : vector<16xf32>
      %abs3A_290 = math.absf %sub3A_289 : vector<16xf32>
      %mul3A_291 = arith.constant -2.000000e+01 : f32
      %mul3A_292 = vector.broadcast %mul3A_291 : f32 to vector<16xf32>
      %mul3A_293 = arith.mulf %mul3A_292, %abs3A_290 : vector<16xf32>
      %exp3A_294 = math.exp %mul3A_293 : vector<16xf32>
      %add3A_295 = arith.addf %add3A_247, %exp3A_294 : vector<16xf32>
      %mul3A_296 = arith.mulf %exp3A_294, %get3A_288 : vector<16xf32>
      %add3A_297 = arith.addf %add3A_249, %mul3A_296 : vector<16xf32>
      %get3A_298 = arith.constant 224 : index
      %get3A_299 = tpu.vector_load %arg6[%get3A_298] {strides = array<i32>} : memref<512xf32, #tpu.memory_space<vmem>>, vector<16xf32>,
      %get3A_300 = vector.shape_cast %get3A_299 : vector<16xf32> to vector<16xf32>
      %sub3A_301 = arith.subf %gather3A_116, %get3A_300 : vector<16xf32>
      %abs3A_302 = math.absf %sub3A_301 : vector<16xf32>
      %mul3A_303 = arith.constant -2.000000e+01 : f32
      %mul3A_304 = vector.broadcast %mul3A_303 : f32 to vector<16xf32>
      %mul3A_305 = arith.mulf %mul3A_304, %abs3A_302 : vector<16xf32>
      %exp3A_306 = math.exp %mul3A_305 : vector<16xf32>
      %add3A_307 = arith.addf %add3A_259, %exp3A_306 : vector<16xf32>
      %mul3A_308 = arith.mulf %exp3A_306, %get3A_300 : vector<16xf32>
      %add3A_309 = arith.addf %add3A_261, %mul3A_308 : vector<16xf32>
      %get3A_310 = arith.constant 240 : index
      %get3A_311 = tpu.vector_load %arg6[%get3A_310] {strides = array<i32>} : memref<512xf32, #tpu.memory_space<vmem>>, vector<16xf32>,
      %get3A_312 = vector.shape_cast %get3A_311 : vector<16xf32> to vector<16xf32>
      %sub3A_313 = arith.subf %gather3A_116, %get3A_312 : vector<16xf32>
      %abs3A_314 = math.absf %sub3A_313 : vector<16xf32>
      %mul3A_315 = arith.constant -2.000000e+01 : f32
      %mul3A_316 = vector.broadcast %mul3A_315 : f32 to vector<16xf32>
      %mul3A_317 = arith.mulf %mul3A_316, %abs3A_314 : vector<16xf32>
      %exp3A_318 = math.exp %mul3A_317 : vector<16xf32>
      %add3A_319 = arith.addf %add3A_271, %exp3A_318 : vector<16xf32>
      %mul3A_320 = arith.mulf %exp3A_318, %get3A_312 : vector<16xf32>
      %add3A_321 = arith.addf %add3A_273, %mul3A_320 : vector<16xf32>
      %get3A_322 = arith.constant 256 : index
      %get3A_323 = tpu.vector_load %arg6[%get3A_322] {strides = array<i32>} : memref<512xf32, #tpu.memory_space<vmem>>, vector<16xf32>,
      %get3A_324 = vector.shape_cast %get3A_323 : vector<16xf32> to vector<16xf32>
      %sub3A_325 = arith.subf %gather3A_116, %get3A_324 : vector<16xf32>
      %abs3A_326 = math.absf %sub3A_325 : vector<16xf32>
      %mul3A_327 = arith.constant -2.000000e+01 : f32
      %mul3A_328 = vector.broadcast %mul3A_327 : f32 to vector<16xf32>
      %mul3A_329 = arith.mulf %mul3A_328, %abs3A_326 : vector<16xf32>
      %exp3A_330 = math.exp %mul3A_329 : vector<16xf32>
      %add3A_331 = arith.addf %add3A_283, %exp3A_330 : vector<16xf32>
      %mul3A_332 = arith.mulf %exp3A_330, %get3A_324 : vector<16xf32>
      %add3A_333 = arith.addf %add3A_285, %mul3A_332 : vector<16xf32>
      %get3A_334 = arith.constant 272 : index
      %get3A_335 = tpu.vector_load %arg6[%get3A_334] {strides = array<i32>} : memref<512xf32, #tpu.memory_space<vmem>>, vector<16xf32>,
      %get3A_336 = vector.shape_cast %get3A_335 : vector<16xf32> to vector<16xf32>
      %sub3A_337 = arith.subf %gather3A_116, %get3A_336 : vector<16xf32>
      %abs3A_338 = math.absf %sub3A_337 : vector<16xf32>
      %mul3A_339 = arith.constant -2.000000e+01 : f32
      %mul3A_340 = vector.broadcast %mul3A_339 : f32 to vector<16xf32>
      %mul3A_341 = arith.mulf %mul3A_340, %abs3A_338 : vector<16xf32>
      %exp3A_342 = math.exp %mul3A_341 : vector<16xf32>
      %add3A_343 = arith.addf %add3A_295, %exp3A_342 : vector<16xf32>
      %mul3A_344 = arith.mulf %exp3A_342, %get3A_336 : vector<16xf32>
      %add3A_345 = arith.addf %add3A_297, %mul3A_344 : vector<16xf32>
      %get3A_346 = arith.constant 288 : index
      %get3A_347 = tpu.vector_load %arg6[%get3A_346] {strides = array<i32>} : memref<512xf32, #tpu.memory_space<vmem>>, vector<16xf32>,
      %get3A_348 = vector.shape_cast %get3A_347 : vector<16xf32> to vector<16xf32>
      %sub3A_349 = arith.subf %gather3A_116, %get3A_348 : vector<16xf32>
      %abs3A_350 = math.absf %sub3A_349 : vector<16xf32>
      %mul3A_351 = arith.constant -2.000000e+01 : f32
      %mul3A_352 = vector.broadcast %mul3A_351 : f32 to vector<16xf32>
      %mul3A_353 = arith.mulf %mul3A_352, %abs3A_350 : vector<16xf32>
      %exp3A_354 = math.exp %mul3A_353 : vector<16xf32>
      %add3A_355 = arith.addf %add3A_307, %exp3A_354 : vector<16xf32>
      %mul3A_356 = arith.mulf %exp3A_354, %get3A_348 : vector<16xf32>
      %add3A_357 = arith.addf %add3A_309, %mul3A_356 : vector<16xf32>
      %get3A_358 = arith.constant 304 : index
      %get3A_359 = tpu.vector_load %arg6[%get3A_358] {strides = array<i32>} : memref<512xf32, #tpu.memory_space<vmem>>, vector<16xf32>,
      %get3A_360 = vector.shape_cast %get3A_359 : vector<16xf32> to vector<16xf32>
      %sub3A_361 = arith.subf %gather3A_116, %get3A_360 : vector<16xf32>
      %abs3A_362 = math.absf %sub3A_361 : vector<16xf32>
      %mul3A_363 = arith.constant -2.000000e+01 : f32
      %mul3A_364 = vector.broadcast %mul3A_363 : f32 to vector<16xf32>
      %mul3A_365 = arith.mulf %mul3A_364, %abs3A_362 : vector<16xf32>
      %exp3A_366 = math.exp %mul3A_365 : vector<16xf32>
      %add3A_367 = arith.addf %add3A_319, %exp3A_366 : vector<16xf32>
      %mul3A_368 = arith.mulf %exp3A_366, %get3A_360 : vector<16xf32>
      %add3A_369 = arith.addf %add3A_321, %mul3A_368 : vector<16xf32>
      %get3A_370 = arith.constant 320 : index
      %get3A_371 = tpu.vector_load %arg6[%get3A_370] {strides = array<i32>} : memref<512xf32, #tpu.memory_space<vmem>>, vector<16xf32>,
      %get3A_372 = vector.shape_cast %get3A_371 : vector<16xf32> to vector<16xf32>
      %sub3A_373 = arith.subf %gather3A_116, %get3A_372 : vector<16xf32>
      %abs3A_374 = math.absf %sub3A_373 : vector<16xf32>
      %mul3A_375 = arith.constant -2.000000e+01 : f32
      %mul3A_376 = vector.broadcast %mul3A_375 : f32 to vector<16xf32>
      %mul3A_377 = arith.mulf %mul3A_376, %abs3A_374 : vector<16xf32>
      %exp3A_378 = math.exp %mul3A_377 : vector<16xf32>
      %add3A_379 = arith.addf %add3A_331, %exp3A_378 : vector<16xf32>
      %mul3A_380 = arith.mulf %exp3A_378, %get3A_372 : vector<16xf32>
      %add3A_381 = arith.addf %add3A_333, %mul3A_380 : vector<16xf32>
      %get3A_382 = arith.constant 336 : index
      %get3A_383 = tpu.vector_load %arg6[%get3A_382] {strides = array<i32>} : memref<512xf32, #tpu.memory_space<vmem>>, vector<16xf32>,
      %get3A_384 = vector.shape_cast %get3A_383 : vector<16xf32> to vector<16xf32>
      %sub3A_385 = arith.subf %gather3A_116, %get3A_384 : vector<16xf32>
      %abs3A_386 = math.absf %sub3A_385 : vector<16xf32>
      %mul3A_387 = arith.constant -2.000000e+01 : f32
      %mul3A_388 = vector.broadcast %mul3A_387 : f32 to vector<16xf32>
      %mul3A_389 = arith.mulf %mul3A_388, %abs3A_386 : vector<16xf32>
      %exp3A_390 = math.exp %mul3A_389 : vector<16xf32>
      %add3A_391 = arith.addf %add3A_343, %exp3A_390 : vector<16xf32>
      %mul3A_392 = arith.mulf %exp3A_390, %get3A_384 : vector<16xf32>
      %add3A_393 = arith.addf %add3A_345, %mul3A_392 : vector<16xf32>
      %get3A_394 = arith.constant 352 : index
      %get3A_395 = tpu.vector_load %arg6[%get3A_394] {strides = array<i32>} : memref<512xf32, #tpu.memory_space<vmem>>, vector<16xf32>,
      %get3A_396 = vector.shape_cast %get3A_395 : vector<16xf32> to vector<16xf32>
      %sub3A_397 = arith.subf %gather3A_116, %get3A_396 : vector<16xf32>
      %abs3A_398 = math.absf %sub3A_397 : vector<16xf32>
      %mul3A_399 = arith.constant -2.000000e+01 : f32
      %mul3A_400 = vector.broadcast %mul3A_399 : f32 to vector<16xf32>
      %mul3A_401 = arith.mulf %mul3A_400, %abs3A_398 : vector<16xf32>
      %exp3A_402 = math.exp %mul3A_401 : vector<16xf32>
      %add3A_403 = arith.addf %add3A_355, %exp3A_402 : vector<16xf32>
      %mul3A_404 = arith.mulf %exp3A_402, %get3A_396 : vector<16xf32>
      %add3A_405 = arith.addf %add3A_357, %mul3A_404 : vector<16xf32>
      %get3A_406 = arith.constant 368 : index
      %get3A_407 = tpu.vector_load %arg6[%get3A_406] {strides = array<i32>} : memref<512xf32, #tpu.memory_space<vmem>>, vector<16xf32>,
      %get3A_408 = vector.shape_cast %get3A_407 : vector<16xf32> to vector<16xf32>
      %sub3A_409 = arith.subf %gather3A_116, %get3A_408 : vector<16xf32>
      %abs3A_410 = math.absf %sub3A_409 : vector<16xf32>
      %mul3A_411 = arith.constant -2.000000e+01 : f32
      %mul3A_412 = vector.broadcast %mul3A_411 : f32 to vector<16xf32>
      %mul3A_413 = arith.mulf %mul3A_412, %abs3A_410 : vector<16xf32>
      %exp3A_414 = math.exp %mul3A_413 : vector<16xf32>
      %add3A_415 = arith.addf %add3A_367, %exp3A_414 : vector<16xf32>
      %mul3A_416 = arith.mulf %exp3A_414, %get3A_408 : vector<16xf32>
      %add3A_417 = arith.addf %add3A_369, %mul3A_416 : vector<16xf32>
      %get3A_418 = arith.constant 384 : index
      %get3A_419 = tpu.vector_load %arg6[%get3A_418] {strides = array<i32>} : memref<512xf32, #tpu.memory_space<vmem>>, vector<16xf32>,
      %get3A_420 = vector.shape_cast %get3A_419 : vector<16xf32> to vector<16xf32>
      %sub3A_421 = arith.subf %gather3A_116, %get3A_420 : vector<16xf32>
      %abs3A_422 = math.absf %sub3A_421 : vector<16xf32>
      %mul3A_423 = arith.constant -2.000000e+01 : f32
      %mul3A_424 = vector.broadcast %mul3A_423 : f32 to vector<16xf32>
      %mul3A_425 = arith.mulf %mul3A_424, %abs3A_422 : vector<16xf32>
      %exp3A_426 = math.exp %mul3A_425 : vector<16xf32>
      %add3A_427 = arith.addf %add3A_379, %exp3A_426 : vector<16xf32>
      %mul3A_428 = arith.mulf %exp3A_426, %get3A_420 : vector<16xf32>
      %add3A_429 = arith.addf %add3A_381, %mul3A_428 : vector<16xf32>
      %get3A_430 = arith.constant 400 : index
      %get3A_431 = tpu.vector_load %arg6[%get3A_430] {strides = array<i32>} : memref<512xf32, #tpu.memory_space<vmem>>, vector<16xf32>,
      %get3A_432 = vector.shape_cast %get3A_431 : vector<16xf32> to vector<16xf32>
      %sub3A_433 = arith.subf %gather3A_116, %get3A_432 : vector<16xf32>
      %abs3A_434 = math.absf %sub3A_433 : vector<16xf32>
      %mul3A_435 = arith.constant -2.000000e+01 : f32
      %mul3A_436 = vector.broadcast %mul3A_435 : f32 to vector<16xf32>
      %mul3A_437 = arith.mulf %mul3A_436, %abs3A_434 : vector<16xf32>
      %exp3A_438 = math.exp %mul3A_437 : vector<16xf32>
      %add3A_439 = arith.addf %add3A_391, %exp3A_438 : vector<16xf32>
      %mul3A_440 = arith.mulf %exp3A_438, %get3A_432 : vector<16xf32>
      %add3A_441 = arith.addf %add3A_393, %mul3A_440 : vector<16xf32>
      %get3A_442 = arith.constant 416 : index
      %get3A_443 = tpu.vector_load %arg6[%get3A_442] {strides = array<i32>} : memref<512xf32, #tpu.memory_space<vmem>>, vector<16xf32>,
      %get3A_444 = vector.shape_cast %get3A_443 : vector<16xf32> to vector<16xf32>
      %sub3A_445 = arith.subf %gather3A_116, %get3A_444 : vector<16xf32>
      %abs3A_446 = math.absf %sub3A_445 : vector<16xf32>
      %mul3A_447 = arith.constant -2.000000e+01 : f32
      %mul3A_448 = vector.broadcast %mul3A_447 : f32 to vector<16xf32>
      %mul3A_449 = arith.mulf %mul3A_448, %abs3A_446 : vector<16xf32>
      %exp3A_450 = math.exp %mul3A_449 : vector<16xf32>
      %add3A_451 = arith.addf %add3A_403, %exp3A_450 : vector<16xf32>
      %mul3A_452 = arith.mulf %exp3A_450, %get3A_444 : vector<16xf32>
      %add3A_453 = arith.addf %add3A_405, %mul3A_452 : vector<16xf32>
      %get3A_454 = arith.constant 432 : index
      %get3A_455 = tpu.vector_load %arg6[%get3A_454] {strides = array<i32>} : memref<512xf32, #tpu.memory_space<vmem>>, vector<16xf32>,
      %get3A_456 = vector.shape_cast %get3A_455 : vector<16xf32> to vector<16xf32>
      %sub3A_457 = arith.subf %gather3A_116, %get3A_456 : vector<16xf32>
      %abs3A_458 = math.absf %sub3A_457 : vector<16xf32>
      %mul3A_459 = arith.constant -2.000000e+01 : f32
      %mul3A_460 = vector.broadcast %mul3A_459 : f32 to vector<16xf32>
      %mul3A_461 = arith.mulf %mul3A_460, %abs3A_458 : vector<16xf32>
      %exp3A_462 = math.exp %mul3A_461 : vector<16xf32>
      %add3A_463 = arith.addf %add3A_415, %exp3A_462 : vector<16xf32>
      %mul3A_464 = arith.mulf %exp3A_462, %get3A_456 : vector<16xf32>
      %add3A_465 = arith.addf %add3A_417, %mul3A_464 : vector<16xf32>
      %get3A_466 = arith.constant 448 : index
      %get3A_467 = tpu.vector_load %arg6[%get3A_466] {strides = array<i32>} : memref<512xf32, #tpu.memory_space<vmem>>, vector<16xf32>,
      %get3A_468 = vector.shape_cast %get3A_467 : vector<16xf32> to vector<16xf32>
      %sub3A_469 = arith.subf %gather3A_116, %get3A_468 : vector<16xf32>
      %abs3A_470 = math.absf %sub3A_469 : vector<16xf32>
      %mul3A_471 = arith.constant -2.000000e+01 : f32
      %mul3A_472 = vector.broadcast %mul3A_471 : f32 to vector<16xf32>
      %mul3A_473 = arith.mulf %mul3A_472, %abs3A_470 : vector<16xf32>
      %exp3A_474 = math.exp %mul3A_473 : vector<16xf32>
      %add3A_475 = arith.addf %add3A_427, %exp3A_474 : vector<16xf32>
      %mul3A_476 = arith.mulf %exp3A_474, %get3A_468 : vector<16xf32>
      %add3A_477 = arith.addf %add3A_429, %mul3A_476 : vector<16xf32>
      %get3A_478 = arith.constant 464 : index
      %get3A_479 = tpu.vector_load %arg6[%get3A_478] {strides = array<i32>} : memref<512xf32, #tpu.memory_space<vmem>>, vector<16xf32>,
      %get3A_480 = vector.shape_cast %get3A_479 : vector<16xf32> to vector<16xf32>
      %sub3A_481 = arith.subf %gather3A_116, %get3A_480 : vector<16xf32>
      %abs3A_482 = math.absf %sub3A_481 : vector<16xf32>
      %mul3A_483 = arith.constant -2.000000e+01 : f32
      %mul3A_484 = vector.broadcast %mul3A_483 : f32 to vector<16xf32>
      %mul3A_485 = arith.mulf %mul3A_484, %abs3A_482 : vector<16xf32>
      %exp3A_486 = math.exp %mul3A_485 : vector<16xf32>
      %add3A_487 = arith.addf %add3A_439, %exp3A_486 : vector<16xf32>
      %mul3A_488 = arith.mulf %exp3A_486, %get3A_480 : vector<16xf32>
      %add3A_489 = arith.addf %add3A_441, %mul3A_488 : vector<16xf32>
      %get3A_490 = arith.constant 480 : index
      %get3A_491 = tpu.vector_load %arg6[%get3A_490] {strides = array<i32>} : memref<512xf32, #tpu.memory_space<vmem>>, vector<16xf32>,
      %get3A_492 = vector.shape_cast %get3A_491 : vector<16xf32> to vector<16xf32>
      %sub3A_493 = arith.subf %gather3A_116, %get3A_492 : vector<16xf32>
      %abs3A_494 = math.absf %sub3A_493 : vector<16xf32>
      %mul3A_495 = arith.constant -2.000000e+01 : f32
      %mul3A_496 = vector.broadcast %mul3A_495 : f32 to vector<16xf32>
      %mul3A_497 = arith.mulf %mul3A_496, %abs3A_494 : vector<16xf32>
      %exp3A_498 = math.exp %mul3A_497 : vector<16xf32>
      %add3A_499 = arith.addf %add3A_451, %exp3A_498 : vector<16xf32>
      %mul3A_500 = arith.mulf %exp3A_498, %get3A_492 : vector<16xf32>
      %add3A_501 = arith.addf %add3A_453, %mul3A_500 : vector<16xf32>
      %get3A_502 = arith.constant 496 : index
      %get3A_503 = tpu.vector_load %arg6[%get3A_502] {strides = array<i32>} : memref<512xf32, #tpu.memory_space<vmem>>, vector<16xf32>,
      %get3A_504 = vector.shape_cast %get3A_503 : vector<16xf32> to vector<16xf32>
      %sub3A_505 = arith.subf %gather3A_116, %get3A_504 : vector<16xf32>
      %abs3A_506 = math.absf %sub3A_505 : vector<16xf32>
      %mul3A_507 = arith.constant -2.000000e+01 : f32
      %mul3A_508 = vector.broadcast %mul3A_507 : f32 to vector<16xf32>
      %mul3A_509 = arith.mulf %mul3A_508, %abs3A_506 : vector<16xf32>
      %exp3A_510 = math.exp %mul3A_509 : vector<16xf32>
      %add3A_511 = arith.addf %add3A_463, %exp3A_510 : vector<16xf32>
      %mul3A_512 = arith.mulf %exp3A_510, %get3A_504 : vector<16xf32>
      %add3A_513 = arith.addf %add3A_465, %mul3A_512 : vector<16xf32>
      %add3A_514 = arith.addf %add3A_475, %add3A_487 : vector<16xf32>
      %add3A_515 = arith.addf %add3A_499, %add3A_511 : vector<16xf32>
      %add3A_516 = arith.addf %add3A_514, %add3A_515 : vector<16xf32>
      %add3A_517 = arith.addf %add3A_477, %add3A_489 : vector<16xf32>
      %add3A_518 = arith.addf %add3A_501, %add3A_513 : vector<16xf32>
      %add3A_519 = arith.addf %add3A_517, %add3A_518 : vector<16xf32>
      %lt3A_520 = arith.constant 0 : i32
      %lt3A_521 = vector.broadcast %lt3A_520 : i32 to vector<16xi32>
      %lt3A_522 = arith.cmpi slt, %select_n3A_21, %lt3A_521 : vector<16xi32>
      %add3A_523 = arith.constant 16 : i32
      %add3A_524 = vector.broadcast %add3A_523 : i32 to vector<16xi32>
      %add3A_525 = arith.addi %select_n3A_21, %add3A_524 : vector<16xi32>
      %select_n3A_526 = arith.select %lt3A_522, %add3A_525, %select_n3A_21 : vector<16xi1>, vector<16xi32>
      %broadcast_in_dim3A_527 = vector.shape_cast %select_n3A_526 : vector<16xi32> to vector<16x1xi32>
      %gather3A_528 = vector.shape_cast %broadcast_in_dim3A_527 : vector<16x1xi32> to vector<16xi32>
      %gather3A_529 = tpu.dynamic_gather %add3A_519[%gather3A_528] in [0] : vector<16xf32>, vector<16xi32> -> vector<16xf32>
      %add3A_530 = arith.addf %add3A_519, %gather3A_529 : vector<16xf32>
      %lt3A_531 = arith.constant 0 : i32
      %lt3A_532 = vector.broadcast %lt3A_531 : i32 to vector<16xi32>
      %lt3A_533 = arith.cmpi slt, %select_n3A_47, %lt3A_532 : vector<16xi32>
      %add3A_534 = arith.constant 16 : i32
      %add3A_535 = vector.broadcast %add3A_534 : i32 to vector<16xi32>
      %add3A_536 = arith.addi %select_n3A_47, %add3A_535 : vector<16xi32>
      %select_n3A_537 = arith.select %lt3A_533, %add3A_536, %select_n3A_47 : vector<16xi1>, vector<16xi32>
      %broadcast_in_dim3A_538 = vector.shape_cast %select_n3A_537 : vector<16xi32> to vector<16x1xi32>
      %gather3A_539 = vector.shape_cast %broadcast_in_dim3A_538 : vector<16x1xi32> to vector<16xi32>
      %gather3A_540 = tpu.dynamic_gather %add3A_530[%gather3A_539] in [0] : vector<16xf32>, vector<16xi32> -> vector<16xf32>
      %add3A_541 = arith.addf %add3A_530, %gather3A_540 : vector<16xf32>
      %lt3A_542 = arith.constant 0 : i32
      %lt3A_543 = vector.broadcast %lt3A_542 : i32 to vector<16xi32>
      %lt3A_544 = arith.cmpi slt, %select_n3A_73, %lt3A_543 : vector<16xi32>
      %add3A_545 = arith.constant 16 : i32
      %add3A_546 = vector.broadcast %add3A_545 : i32 to vector<16xi32>
      %add3A_547 = arith.addi %select_n3A_73, %add3A_546 : vector<16xi32>
      %select_n3A_548 = arith.select %lt3A_544, %add3A_547, %select_n3A_73 : vector<16xi1>, vector<16xi32>
      %broadcast_in_dim3A_549 = vector.shape_cast %select_n3A_548 : vector<16xi32> to vector<16x1xi32>
      %gather3A_550 = vector.shape_cast %broadcast_in_dim3A_549 : vector<16x1xi32> to vector<16xi32>
      %gather3A_551 = tpu.dynamic_gather %add3A_541[%gather3A_550] in [0] : vector<16xf32>, vector<16xi32> -> vector<16xf32>
      %add3A_552 = arith.addf %add3A_541, %gather3A_551 : vector<16xf32>
      %lt3A_553 = arith.constant 0 : i32
      %lt3A_554 = vector.broadcast %lt3A_553 : i32 to vector<16xi32>
      %lt3A_555 = arith.cmpi slt, %select_n3A_99, %lt3A_554 : vector<16xi32>
      %add3A_556 = arith.constant 16 : i32
      %add3A_557 = vector.broadcast %add3A_556 : i32 to vector<16xi32>
      %add3A_558 = arith.addi %select_n3A_99, %add3A_557 : vector<16xi32>
      %select_n3A_559 = arith.select %lt3A_555, %add3A_558, %select_n3A_99 : vector<16xi1>, vector<16xi32>
      %broadcast_in_dim3A_560 = vector.shape_cast %select_n3A_559 : vector<16xi32> to vector<16x1xi32>
      %gather3A_561 = vector.shape_cast %broadcast_in_dim3A_560 : vector<16x1xi32> to vector<16xi32>
      %gather3A_562 = tpu.dynamic_gather %add3A_552[%gather3A_561] in [0] : vector<16xf32>, vector<16xi32> -> vector<16xf32>
      %add3A_563 = arith.addf %add3A_552, %gather3A_562 : vector<16xf32>
      %lt3A_564 = arith.constant 0 : i32
      %lt3A_565 = vector.broadcast %lt3A_564 : i32 to vector<16xi32>
      %lt3A_566 = arith.cmpi slt, %select_n3A_21, %lt3A_565 : vector<16xi32>
      %add3A_567 = arith.constant 16 : i32
      %add3A_568 = vector.broadcast %add3A_567 : i32 to vector<16xi32>
      %add3A_569 = arith.addi %select_n3A_21, %add3A_568 : vector<16xi32>
      %select_n3A_570 = arith.select %lt3A_566, %add3A_569, %select_n3A_21 : vector<16xi1>, vector<16xi32>
      %broadcast_in_dim3A_571 = vector.shape_cast %select_n3A_570 : vector<16xi32> to vector<16x1xi32>
      %gather3A_572 = vector.shape_cast %broadcast_in_dim3A_571 : vector<16x1xi32> to vector<16xi32>
      %gather3A_573 = tpu.dynamic_gather %add3A_516[%gather3A_572] in [0] : vector<16xf32>, vector<16xi32> -> vector<16xf32>
      %add3A_574 = arith.addf %add3A_516, %gather3A_573 : vector<16xf32>
      %lt3A_575 = arith.constant 0 : i32
      %lt3A_576 = vector.broadcast %lt3A_575 : i32 to vector<16xi32>
      %lt3A_577 = arith.cmpi slt, %select_n3A_47, %lt3A_576 : vector<16xi32>
      %add3A_578 = arith.constant 16 : i32
      %add3A_579 = vector.broadcast %add3A_578 : i32 to vector<16xi32>
      %add3A_580 = arith.addi %select_n3A_47, %add3A_579 : vector<16xi32>
      %select_n3A_581 = arith.select %lt3A_577, %add3A_580, %select_n3A_47 : vector<16xi1>, vector<16xi32>
      %broadcast_in_dim3A_582 = vector.shape_cast %select_n3A_581 : vector<16xi32> to vector<16x1xi32>
      %gather3A_583 = vector.shape_cast %broadcast_in_dim3A_582 : vector<16x1xi32> to vector<16xi32>
      %gather3A_584 = tpu.dynamic_gather %add3A_574[%gather3A_583] in [0] : vector<16xf32>, vector<16xi32> -> vector<16xf32>
      %add3A_585 = arith.addf %add3A_574, %gather3A_584 : vector<16xf32>
      %lt3A_586 = arith.constant 0 : i32
      %lt3A_587 = vector.broadcast %lt3A_586 : i32 to vector<16xi32>
      %lt3A_588 = arith.cmpi slt, %select_n3A_73, %lt3A_587 : vector<16xi32>
      %add3A_589 = arith.constant 16 : i32
      %add3A_590 = vector.broadcast %add3A_589 : i32 to vector<16xi32>
      %add3A_591 = arith.addi %select_n3A_73, %add3A_590 : vector<16xi32>
      %select_n3A_592 = arith.select %lt3A_588, %add3A_591, %select_n3A_73 : vector<16xi1>, vector<16xi32>
      %broadcast_in_dim3A_593 = vector.shape_cast %select_n3A_592 : vector<16xi32> to vector<16x1xi32>
      %gather3A_594 = vector.shape_cast %broadcast_in_dim3A_593 : vector<16x1xi32> to vector<16xi32>
      %gather3A_595 = tpu.dynamic_gather %add3A_585[%gather3A_594] in [0] : vector<16xf32>, vector<16xi32> -> vector<16xf32>
      %add3A_596 = arith.addf %add3A_585, %gather3A_595 : vector<16xf32>
      %lt3A_597 = arith.constant 0 : i32
      %lt3A_598 = vector.broadcast %lt3A_597 : i32 to vector<16xi32>
      %lt3A_599 = arith.cmpi slt, %select_n3A_99, %lt3A_598 : vector<16xi32>
      %add3A_600 = arith.constant 16 : i32
      %add3A_601 = vector.broadcast %add3A_600 : i32 to vector<16xi32>
      %add3A_602 = arith.addi %select_n3A_99, %add3A_601 : vector<16xi32>
      %select_n3A_603 = arith.select %lt3A_599, %add3A_602, %select_n3A_99 : vector<16xi1>, vector<16xi32>
      %broadcast_in_dim3A_604 = vector.shape_cast %select_n3A_603 : vector<16xi32> to vector<16x1xi32>
      %gather3A_605 = vector.shape_cast %broadcast_in_dim3A_604 : vector<16x1xi32> to vector<16xi32>
      %gather3A_606 = tpu.dynamic_gather %add3A_596[%gather3A_605] in [0] : vector<16xf32>, vector<16xi32> -> vector<16xf32>
      %add3A_607 = arith.addf %add3A_596, %gather3A_606 : vector<16xf32>
      %div3A = arith.divf %add3A_563, %add3A_607 : vector<16xf32>
      %swap3A = arith.index_cast %scan3A_105 : i32 to index
      %swap3A_608 = tpu.vector_load %arg7[%swap3A] {strides = array<i32>} : memref<4112xf32, #tpu.memory_space<vmem>>, vector<16xf32>,
      %swap3A_609 = vector.shape_cast %swap3A_608 : vector<16xf32> to vector<16xf32>
      %swap3A_610 = vector.shape_cast %div3A : vector<16xf32> to vector<16xf32>
      tpu.vector_store %arg7[%swap3A], %swap3A_610 {strides = array<i32>} : memref<4112xf32, #tpu.memory_space<vmem>>, vector<16xf32>,
    }
    %scan3A_104 = arith.constant 4096 : i32
    "tpu.region"() ({
      %run_scoped3A = tpu.sem_alloc : memref<!tpu.dma_semaphore, #tpu.memory_space<semaphore_mem>>
      %dma_start3A = arith.constant 0 : i32
      %dma_start3A_105 = tpu.memref_slice %arg7[%dma_start3A] : memref<4112xf32, #tpu.memory_space<vmem>> -> memref<4096xf32, #tpu.memory_space<vmem>>
      %dma_start3A_106 = tpu.memref_slice %arg4[%mul3A_2] : memref<131072xf32, #tpu.memory_space<hbm>> -> memref<4096xf32, #tpu.memory_space<hbm>>
      %dma_start3A_107 = tpu.memref_slice %arg4[%mul3A_2] : memref<131072xf32, #tpu.memory_space<hbm>> -> memref<4096xf32, #tpu.memory_space<hbm>>
      %dma_start3A_108 = arith.constant 0 : i32
      %dma_start3A_109 = tpu.memref_slice %arg7[%dma_start3A_108] : memref<4112xf32, #tpu.memory_space<vmem>> -> memref<4096xf32, #tpu.memory_space<vmem>>
      tpu.enqueue_dma source(%dma_start3A_109 : memref<4096xf32, #tpu.memory_space<vmem>>) target(%dma_start3A_107 : memref<4096xf32, #tpu.memory_space<hbm>>) target_semaphore(%run_scoped3A : memref<!tpu.dma_semaphore, #tpu.memory_space<semaphore_mem>>)
      %dma_wait3A = arith.constant 0 : i32
      %dma_wait3A_110 = tpu.memref_slice %arg7[%dma_wait3A] : memref<4112xf32, #tpu.memory_space<vmem>> -> memref<4096xf32, #tpu.memory_space<vmem>>
      %dma_wait3A_111 = tpu.memref_slice %arg4[%mul3A_2] : memref<131072xf32, #tpu.memory_space<hbm>> -> memref<4096xf32, #tpu.memory_space<hbm>>
      %dma_wait3A_112 = tpu.memref_slice %arg4[%mul3A_2] : memref<131072xf32, #tpu.memory_space<hbm>> -> memref<4096xf32, #tpu.memory_space<hbm>>
      %dma_wait3A_113 = arith.constant 0 : i32
      %dma_wait3A_114 = tpu.memref_slice %arg7[%dma_wait3A_113] : memref<4112xf32, #tpu.memory_space<vmem>> -> memref<4096xf32, #tpu.memory_space<vmem>>
      tpu.wait_dma2 semaphore(%run_scoped3A : memref<!tpu.dma_semaphore, #tpu.memory_space<semaphore_mem>>) src(%dma_wait3A_114 : memref<4096xf32, #tpu.memory_space<vmem>>) dst(%dma_wait3A_112 : memref<4096xf32, #tpu.memory_space<hbm>>)
      tpu.yield
    }) : () -> ()
    return
  }
}

module attributes {stable_mosaic.version = 14 : i64} {
  func.func @_tc_soft_kernel(%arg0: i32, %arg1: memref<4096x1xf32, #tpu.memory_space<vmem>>, %arg2: memref<1x512xf32, #tpu.memory_space<vmem>>, %arg3: memref<512x128xf32, #tpu.memory_space<vmem>>, %arg4: memref<4096x512xf32, #tpu.memory_space<vmem>>) attributes {dimension_semantics = [#tpu.dimension_semantics<parallel>], iteration_bounds = array<i64: 32>, scalar_prefetch = 0 : i64, scratch_operands = 0 : i64, tpu.core_type = #tpu.core_type<tc>, window_params = [{transform_indices = @transform_0, window_bounds = array<i64: 4096, 1>}, {pipeline_mode = #tpu.pipeline_mode<synchronous>, transform_indices = @transform_1, window_bounds = array<i64: 1, 512>}, {pipeline_mode = #tpu.pipeline_mode<synchronous>, transform_indices = @transform_2, window_bounds = array<i64: 512, 128>}, {transform_indices = @transform_3, window_bounds = array<i64: 4096, 512>}]} {
    %get3A = arith.constant 0 : index
    %get3A_0 = arith.constant 0 : index
    %get3A_1 = vector.load %arg1[%get3A, %get3A_0] : memref<4096x1xf32, #tpu.memory_space<vmem>>, vector<4096x1xf32>
    %get3A_2 = arith.constant 0 : index
    %get3A_3 = arith.constant 0 : index
    %get3A_4 = vector.load %arg2[%get3A_2, %get3A_3] : memref<1x512xf32, #tpu.memory_space<vmem>>, vector<1x512xf32>
    %sub3A = vector.broadcast %get3A_1 : vector<4096x1xf32> to vector<4096x512xf32>
    %sub3A_5 = vector.broadcast %get3A_4 : vector<1x512xf32> to vector<4096x512xf32>
    %sub3A_6 = arith.subf %sub3A, %sub3A_5 : vector<4096x512xf32>
    %abs3A = math.absf %sub3A_6 : vector<4096x512xf32>
    %mul3A = arith.constant -2.885390e+01 : f32
    %mul3A_7 = vector.broadcast %mul3A : f32 to vector<4096x512xf32>
    %mul3A_8 = arith.mulf %mul3A_7, %abs3A : vector<4096x512xf32>
    %exp23A = math.exp2 %mul3A_8 : vector<4096x512xf32>
    %get3A_9 = arith.constant 0 : index
    %get3A_10 = arith.constant 0 : index
    %get3A_11 = vector.load %arg3[%get3A_9, %get3A_10] : memref<512x128xf32, #tpu.memory_space<vmem>>, vector<512x128xf32>
    %dot_general3A = arith.constant dense<0.000000e+00> : vector<4096x128xf32>
    %dot_general3A_12 = tpu.matmul %exp23A, %get3A_11, %dot_general3A {dimension_numbers = #tpu.dot_dimension_numbers<[1], [0], [0], [1], [0, 0, 1, 1], [], []>, transpose_lhs_hint = false} : vector<4096x512xf32>, vector<512x128xf32>, vector<4096x128xf32> -> vector<4096x128xf32>
    %slice3A = vector.extract_strided_slice %dot_general3A_12 {offsets = [0, 0], sizes = [4096, 1], strides = [1, 1]} : vector<4096x128xf32> to vector<4096x1xf32>
    %div3A = arith.constant 1.000000e+00 : f32
    %div3A_13 = vector.broadcast %div3A : f32 to vector<4096x1xf32>
    %div3A_14 = arith.divf %div3A_13, %slice3A : vector<4096x1xf32>
    %mul3A_15 = vector.broadcast %div3A_14 : vector<4096x1xf32> to vector<4096x512xf32>
    %mul3A_16 = arith.mulf %exp23A, %mul3A_15 : vector<4096x512xf32>
    %swap3A = arith.constant 0 : index
    %swap3A_17 = arith.constant 0 : index
    %swap3A_18 = vector.load %arg4[%swap3A, %swap3A_17] : memref<4096x512xf32, #tpu.memory_space<vmem>>, vector<4096x512xf32>
    tpu.vector_store %arg4[%swap3A, %swap3A_17], %mul3A_16 {strides = array<i32>} : memref<4096x512xf32, #tpu.memory_space<vmem>>, vector<4096x512xf32>,
    return
  }
  func.func @transform_0(%arg0: i32) -> (i32, i32) {
    %c0_i32 = arith.constant 0 : i32
    %c0_i32_0 = arith.constant 0 : i32
    return %arg0, %c0_i32 : i32, i32
  }
  func.func @transform_1(%arg0: i32) -> (i32, i32) {
    %c0_i32 = arith.constant 0 : i32
    %c0_i32_0 = arith.constant 0 : i32
    %c0_i32_1 = arith.constant 0 : i32
    return %c0_i32, %c0_i32_0 : i32, i32
  }
  func.func @transform_2(%arg0: i32) -> (i32, i32) {
    %c0_i32 = arith.constant 0 : i32
    %c0_i32_0 = arith.constant 0 : i32
    %c0_i32_1 = arith.constant 0 : i32
    return %c0_i32, %c0_i32_0 : i32, i32
  }
  func.func @transform_3(%arg0: i32) -> (i32, i32) {
    %c0_i32 = arith.constant 0 : i32
    %c0_i32_0 = arith.constant 0 : i32
    return %arg0, %c0_i32 : i32, i32
  }
}

</mosaic_0001>

<sc_bundles>
// kernel: kernel.4.cloned.1.call-start
scs
__scs_entry_jumppad:
0x0: {  	(pc) =	sbr.rel $0x88, $3  }
0x1: {  	(tag) =	ssettag $0x0;
	lr =	simm.s32 $0x1  }
0x2: {  	[smem:$0x3F9F] =	sst lr;
	_ =	strace $0xD0000000  }
0x3: {  	_ = 	snop  }
0x4: {  	_ = 	snop  }
0x5: {  	_ = 	snop  }
0x6: {  	_ = 	snop  }
0x7: {  	_ = 	snop  }
__scs_overlays_trampoline_lowered:
0x8: {  	[smem:$0x3FAE] =	sst s0  }
0x9: {  	[smem:$0x3FAF] =	sst s1  }
0xa: {  	[smem:$0x3FB0] =	sst s2  }
0xb: {  	[smem:$0x3FB1] =	sst s3  }
0xc: {  	[smem:$0x3FB2] =	sst s4  }
0xd: {  	[smem:$0x3FB3] =	sst s5  }
0xe: {  	[smem:$0x3FB4] =	sst s6  }
0xf: {  	[smem:$0x3FB5] =	sst s7  }
0x10: {  	[smem:$0x3FB6] =	sst s8  }
0x11: {  	[smem:$0x3FB7] =	sst s9;
	s0 =	simm.s32 @!p0 $0x0  }
0x12: {  	s1 =	sld [smem:$0x3F9D];
	s0 =	simm.s32 @p0 $0x1  }
0x13: {  	[smem:$0x3FB8] =	sst s0;
	s0 =	simm.s32 @!p1 $0x0  }
0x14: {  	s2 =	sld [smem:$0x3F9C];
	s0 =	simm.s32 @p1 $0x1  }
0x15: {  	[smem:$0x3FB9] =	sst s0;
	s0 =	simm.s32 @!p2 $0x0  }
0x16: {  	s3 =	sld [smem:$0x3FDB];
	s0 =	simm.s32 @p2 $0x1  }
0x17: {  	s4 =	simm.s32 $0x1BF5;
	[smem:$0x3FBB] =	sst s0  }
0x18: {  	s0 =	sld [smem:$0x3F9E];
	_ =	swait.ge [sflag:s4], $0x0  }
0x19: {  	s7 =	sld [smem:$0x3F9F]  }
0x1a: {  	s8 =	sadd.s32 $0xFFFFE003, lr  }
0x1b: {  	s9 =	sadd.s32 $0xFFFFFEF7, lr;
	s5 =	simm.s32 $0xFFFFFFFF;
	p2 =	slt.u32 s8, $0xFFFFF086  }
0x1c: {  	p1 =	slt.u32 s9, $0xF7A;
	s5 =	simm.s32 @!p2 $0x0  }
0x1d: {  	s5 =	simm.s32 @p1 $0x1;
	p0 =	seq.s32 s7, s2  }
0x1e: {  	s7 =	smul.u32 @!p0 $0xF7A, s2;
	p2 =	seq.s32 @!p0 s5, $0x0  }
0x1f: {  	s9 =	smul.u32 $0xF7A, s1;
	s8 =	simm.s32 @!p0 $0x1BF5;
	p2 =	por !p2, p0  }
0x20: {  	[sflag:s8] =	ssyncset.s32 @!p0 $0xFFFFF086;
	s6 =	sadd.s32 @!p0 s3, s7;
	s7 =	simm.s32 @!p0 $0x108  }
0x21: {  	s3 =	sadd.s32 s3, s9;
	s6 =	sadd.s32 @!p0 $0x88, s6;
	s7 =	simm.s32 @p2 $0x1082  }
0x22: {  	[simem:s7], [sflag:s8] =	dma.local @!p0 [hbm:s6], $0xF7A  }
0x23: {  	s9 =	sor.u32 $0xD0000000, s2;
	s6 =	simm.s32 $0x108;
	_ =	swait.ge @!p0 [sflag:s8], $0x0  }
0x24: {  	s3 =	sadd.s32 $0x88, s3;
	s6 =	simm.s32 @!p1 $0x1082;
	[sflag:s4] =	ssyncset.s32 $0xFFFFF086  }
0x25: {  	[simem:s6], [sflag:s4] =	dma.local [hbm:s3], $0xF7A  }
0x26: {  	[smem:$0x3F9F] =	sst s1;
	(tag) =	ssettag s2;
	_ =	strace s9  }
0x27: {  	s1 =	sld [smem:$0x3FAF]  }
0x28: {  	s2 =	sld [smem:$0x3FB0]  }
0x29: {  	s4 =	sld [smem:$0x3FB2]  }
0x2a: {  	p0 =	seq.s32 s5, $0x0;
	s5 =	sld [smem:$0x3FB3]  }
0x2b: {  	s6 =	sld [smem:$0x3FB4]  }
0x2c: {  	s7 =	sld [smem:$0x3FB5]  }
0x2d: {  	s3 =	simm.s32 $0x108;
	s8 =	sld [smem:$0x3FB6]  }
0x2e: {  	s3 =	simm.s32 @!p0 $0x1082;
	s9 =	sld [smem:$0x3FB7]  }
0x2f: {  	lr =	sadd.s32 s0, s3;
	s0 =	sld [smem:$0x3FAE]  }
0x30: {  	s3 =	sld [smem:$0x3FB1]  }
0x31: {  	[smem:$0x3FBA] =	sst s10  }
0x32: {  	s10 =	sld [smem:$0x3FB8];
	_ =	sdelay $0x3  }
0x33: {  	p0 =	seq.s32 s10, $0x1;
	s10 =	sld [smem:$0x3FBA];
	_ =	sdelay $0x3  }
0x34: {  	[smem:$0x3FBA] =	sst s10  }
0x35: {  	s10 =	sld [smem:$0x3FB9];
	_ =	sdelay $0x3  }
0x36: {  	p1 =	seq.s32 s10, $0x1;
	s10 =	sld [smem:$0x3FBA];
	_ =	sdelay $0x3  }
0x37: {  	[smem:$0x3FBA] =	sst s10  }
0x38: {  	s10 =	sld [smem:$0x3FBB]  }
0x39: {  	_ = 	snop;
	(pc) =	sbr.ind lr, $3  }
0x3a: {  	_ = 	snop  }
0x3b: {  	_ = 	snop  }
0x3c: {  	p2 =	seq.s32 s10, $0x1;
	s10 =	sld [smem:$0x3FBA]  }
0x3d: {  	_ =	shalt  }
0x3e: {  	_ =	shalt  }
0x3f: {  	_ =	shalt  }
0x40: {  	_ =	shalt  }
0x41: {  	_ =	shalt  }
0x42: {  	_ =	shalt  }
0x43: {  	_ =	shalt  }
0x44: {  	_ =	shalt  }
0x45: {  	_ =	shalt  }
0x46: {  	_ =	shalt  }
0x47: {  	_ =	shalt  }
0x48: {  	_ =	shalt  }
0x49: {  	_ =	shalt  }
0x4a: {  	_ =	shalt  }
0x4b: {  	_ =	shalt  }
0x4c: {  	_ =	shalt  }
0x4d: {  	_ =	shalt  }
0x4e: {  	_ =	shalt  }
0x4f: {  	_ =	shalt  }
0x50: {  	_ =	shalt  }
0x51: {  	_ =	shalt  }
0x52: {  	_ =	shalt  }
0x53: {  	_ =	shalt  }
0x54: {  	_ =	shalt  }
0x55: {  	_ =	shalt  }
0x56: {  	_ =	shalt  }
0x57: {  	_ =	shalt  }
0x58: {  	_ =	shalt  }
0x59: {  	_ =	shalt  }
0x5a: {  	_ =	shalt  }
0x5b: {  	_ =	shalt  }
0x5c: {  	_ =	shalt  }
0x5d: {  	_ =	shalt  }
0x5e: {  	_ =	shalt  }
0x5f: {  	_ =	shalt  }
0x60: {  	_ =	shalt  }
0x61: {  	_ =	shalt  }
0x62: {  	_ =	shalt  }
0x63: {  	_ =	shalt  }
0x64: {  	_ =	shalt  }
0x65: {  	_ =	shalt  }
0x66: {  	_ =	shalt  }
0x67: {  	_ =	shalt  }
0x68: {  	_ =	shalt  }
0x69: {  	_ =	shalt  }
0x6a: {  	_ =	shalt  }
0x6b: {  	_ =	shalt  }
0x6c: {  	_ =	shalt  }
0x6d: {  	_ =	shalt  }
0x6e: {  	_ =	shalt  }
0x6f: {  	_ =	shalt  }
0x70: {  	_ =	shalt  }
0x71: {  	_ =	shalt  }
0x72: {  	_ =	shalt  }
0x73: {  	_ =	shalt  }
0x74: {  	_ =	shalt  }
0x75: {  	_ =	shalt  }
0x76: {  	_ =	shalt  }
0x77: {  	_ =	shalt  }
0x78: {  	_ =	shalt  }
0x79: {  	_ =	shalt  }
0x7a: {  	_ =	shalt  }
0x7b: {  	_ =	shalt  }
0x7c: {  	_ =	shalt  }
0x7d: {  	_ =	shalt  }
0x7e: {  	_ =	shalt  }
0x7f: {  	_ =	shalt  }
0x80: {  	_ =	shalt  }
0x81: {  	_ =	shalt  }
0x82: {  	_ =	shalt  }
0x83: {  	_ =	shalt  }
0x84: {  	_ =	shalt  }
0x85: {  	_ =	shalt  }
0x86: {  	_ =	shalt  }
0x87: {  	_ =	shalt  }
.Lfunc_end0:
.L_simem_size_0:
called_computation_lowered:
.L_overlay_start_0:
0x88: {  	s2 =	sld [smem:$0x3FD9]  }
0x89: {  	s3 =	sld [smem:$0x3FFE];
	_ =	sdelay $0x1  }
0x8a: {  	s1 =	srdreg.scid  }
0x8b: {  	s0 =	sand.u32 $0x1, s1  }
0x8c: {  	s14 =	sshll.u32 s0, $0xA;
	s2 =	sadd.s32 s3, s2  }
0x8d: {  	s2 =	sadd.s32 s2, s14  }
0x8e: {  	[smem:$0x3FC6] =	sst s2  }
0x8f: {  	_ = 	snop  }
0x90: {  	s2 =	sld [smem:$0x3FD0];
	_ =	sdelay $0x2  }
0x91: {  	s4 =	simm.s32 $0xA;
	s5 =	simm.s32 $0x10;
	s15 =	sld [smem:$0x3FC8]  }
0x92: {  	[smem:s5], [sflag:s4] =	dma.local [hbm:s2], $0x1  }
0x93: {  	_ =	swait.eq [sflag:s4], $0x1  }
0x94: {  	[sflag:s4] =	ssyncset.done $0x0  }
0x95: {  	[sflag:s4] =	ssyncadd.s32 $0xFFFFFFFF  }
0x96: {  	s16 =	sld [smem:$0x11];
	(tm) =	ssettm $0x1  }
0x97: {  	s17 =	sld [smem:$0x3FFB];
	_ =	sdelay $0x3  }
0x98: {  	_ =	strace s17  }
0x99: {  	s4 =	sld [smem:$0x3FFC];
	_ =	sdelay $0x3  }
0x9a: {  	_ =	strace s4  }
0x9b: {  	s4 =	sld [smem:$0x3FFD];
	_ =	sdelay $0x3  }
0x9c: {  	_ =	strace s4  }
0x9d: {  	_ =	strace $0x8FFFFFFF  }
0x9e: {  	s18 =	sld [smem:$0x3FDB];
	_ =	sdelay $0x1  }
0x9f: {  	s19 =	simm.s32 $_scs_section_size  }
0xa0: {  	s6 =	simm.s32 $_size__tile_overlayer_lowered;
	s7 =	simm.s32 $_tile_overlayer_lowered  }
0xa1: {  	s22 =	simm.s32 $0x1BFF;
	s21 =	sshll.u32 s7, $0x1;
	s4 =	sadd.s32 s19, s18  }
0xa2: {  	s8 =	simm.s32 $0x0;
	s20 =	sshll.u32 s6, $0x1;
	s6 =	sadd.s32 s21, s4  }
0xa3: {  	[timem:s8], [sflag:s22] =	dma.local [hbm:s6], s20  }
0xa4: {  	_ =	swait.ge [sflag:s22], s20  }
0xa5: {  	s5 =	ssub.s32 $0x0, s20;
	[sflag:s22] =	ssyncset.done $0x0  }
0xa6: {  	[sflag:s22] =	ssyncadd.s32 s5;
	_ =	sdelay $0x1  }
0xa7: {  	s23 =	simm.s32 $0x1B8B  }
0xa8: {  	_ =	swait.ge [sflag:s23], $0x1  }
0xa9: {  	[sflag:s23] =	ssyncset.done $0x0  }
0xaa: {  	s25 =	simm.s32 $0x1B8E;
	s24 =	sld [smem:$0x3FFE];
	[sflag:s23] =	ssyncadd.s32 $0xFFFFFFFF  }
0xab: {  	s26 =	simm.s32 $execute0_lowered;
	[smem:$0x3FD2] =	sst s25  }
0xac: {  	s6 =	sshll.u32 s26, $0x1;
	_ =	strace $0x80000046;
	[dreg:$0x1] =	wrdreg $0xFFFFFFFF  }
0xad: {  	s28 =	simm.s32 $_size_execute0_lowered;
	s4 =	sadd.s32 s4, s6;
	[dreg:$0x0] =	wrdreg $0x0  }
0xae: {  	s6 =	sshll.u32 s28, $0x1;
	[dreg:$0x2] =	wrdreg s4  }
0xaf: {  	[dreg:$0x3] =	wrdreg s6  }
0xb0: {  	[dreg:$0x4] =	wrdreg $0xC0  }
0xb1: {  	_ =	task [dreg:s8], $0x5FFFF  }
0xb2: {  	[dreg:$0x1] =	wrdreg $0xFFFFFFFF  }
0xb3: {  	[dreg:$0x0] =	wrdreg $0x60  }
0xb4: {  	[dreg:$0x2] =	wrdreg s16  }
0xb5: {  	[dreg:$0x3] =	wrdreg s15  }
0xb6: {  	[dreg:$0x4] =	wrdreg s24  }
0xb7: {  	[dreg:$0x5] =	wrdreg $0x9  }
0xb8: {  	_ =	task.clear_ibuf [dreg:s8], $0x6FFFF;
	_ =	strace $0x90000046  }
0xb9: {  	s29 =	simm.s32 $0x9;
	_ =	strace $0x80000048  }
0xba: {  	_ =	swait.ge [sflag:s29], $0x1  }
0xbb: {  	[sflag:s29] =	ssyncadd.s32 $0xFFFFFFFF  }
0xbc: {  	_ =	strace $0x90000048  }
0xbd: {  	_ =	sfence  }
0xbe: {  	s30 =	sld [smem:$0x0];
	_ =	sdelay $0x2  }
0xbf: {  	s31 =	sshll.u32 s1, $0xD;
	s1 =	sshrl.u32 s1, $0x2  }
0xc0: {  	s3 =	sand.u32 $0x4000, s31;
	s1 =	sadd.s32 s1, s30  }
0xc1: {  	s0 =	sor.u32 s3, s0;
	s1 =	sshll.u32 s1, $0x11  }
0xc2: {  	s0 =	sor.u32 s1, s0  }
0xc3: {  	s0 =	sadd.s32 $0x8F2B, s0  }
0xc4: {  	[sflag:s0] =	ssyncadd.remote.s32 $0x1  }
0xc5: {  	_ =	sfence.sel $0xFFFF  }
0xc6: {  	[dreg:$0x0] =	wrdreg $0xFFFFFFFF;
	(pc) =	sbr.abs _section_cstart, $3  }
0xc7: {  	[dreg:$0x1] =	wrdreg $0xFFFFFFFF  }
0xc8: {  	_ =	task.clear_ibuf [dreg:s8], $0x2FFFF;
	_ =	strace $0x9FFFFFFF  }
0xc9: {  	(tm) =	ssettm $0x7FFFFFFF  }
tec
execute0_lowered:
.L_overlay_start_1:
0x0: {  	(tag) =	ssettag $0x1  }
0x1: {  	v0 =	vimm.s32 $0xFEDCBA98;
	v1 =	vimm.s32 $0x76543210  }
0x2: {  	v2 =	vimm.s32 $0x3210FEDC;
	v3 =	vimm.s32 $0xBA987654;
	v4 =	vimm.s32 $0x10FEDCBA  }
0x3: {  	s4 =	rddreg [dreg:$0x0];
	v5 =	vimm.s32 $0x98765432;
	v6 =	vimm.s32 $0xFEDCBA9;
	v7 =	vimm.s32 $0x87654321  }
0x4: {  	s0 =	rddreg [dreg:$0x1];
	v0 =	vunpack.c.l.s4.s8 v0;
	v1 =	vunpack.c.l.s4.s8 v1;
	v2 =	vunpack.c.l.s4.s8 v2  }
0x5: {  	s5 =	rddreg [dreg:$0x2];
	v3 =	vunpack.c.l.s4.s8 v3;
	v4 =	vunpack.c.l.s4.s8 v4;
	v5 =	vunpack.c.l.s4.s8 v5  }
0x6: {  	s1 =	rddreg [dreg:$0x3];
	s2 =	simm.s32 $0x0;
	s6 =	srdreg.scid;
	v6 =	vunpack.c.l.s4.s8 v6;
	v7 =	vunpack.c.l.s4.s8 v7;
	v0 =	vunpack.c.0.s8.s32 v0  }
0x7: {  	s3 =	stileid.u32;
	s9 =	simm.s32 $0x1280;
	s10 =	simm.s32 $0x0;
	v2 =	vunpack.c.0.s8.s32 v2;
	v3 =	vunpack.c.0.s8.s32 v3;
	v4 =	vunpack.c.0.s8.s32 v4  }
0x8: {  	[smem:$0x7FF] =	sst s2;
	s6 =	sand.u32 $0x1, s6;
	s7 =	sshll.u32 s3, $0xA;
	v5 =	vunpack.c.0.s8.s32 v5;
	v6 =	vunpack.c.0.s8.s32 v6;
	v7 =	vunpack.c.0.s8.s32 v7  }
0x9: {  	s8 =	sshll.u32 s6, $0x9;
	s6 =	ssub.s32 $0x2, s6;
	_ =	strace $0x80000047;
	v1 =	vunpack.c.0.s8.s32 v1;
	v2 =	vcombine.low v3, v2  }
0xa: {  	s7 =	sor.u32 s8, s7;
	s31 =	sshrl.u32 s6, $0x1;
	s8 =	simm.s32 $0x1080;
	v3 =	vcombine.low v5, v4;
	v4 =	vand.u32 $0xF, v0;
	v5 =	vcombine.low v7, v6  }
0xb: {  	v61 =	vimm.s32 $0x0;
	s5 =	sadd.s32 s7, s5;
	s6 =	ssub.s32 s6, s31;
	s4 =	sadd.s32 s4, s7;
	v62 =	vcombine.low v4, v1  }
0xc: {  	s7 =	simm.s32 $0x1;
	s5 =	sadd.s32 $0x200, s5;
	s6 =	smax.u32 s6, $0x1;
	v63 =	vand.u32 $0xF, v2;
	v3 =	vand.u32 $0xF, v3;
	v4 =	vand.u32 $0xF, v5  }
.LBB2_1:
0xd: {  	[tilespmem:s2], [sflag:$0x1] =	stream.linear.gather [hbm4b:s4+s2], $0x1000, $0x38;
	[tilespmem:$0x2300] =	vst v63  }
0xe: {  	_ =	swait.ge [sflag:s7], $0x1000  }
0xf: {  	[sflag:s7] =	ssyncset.done $0x0  }
0x10: {  	[sflag:s7] =	ssyncadd.s32 $0xFFFFF000  }
0x11: {  	[tilespmem:s8], [sflag:$0x1] =	stream.linear.gather [hbm4b:s0+s2], $0x200, $0x38;
	[tilespmem:$0x2300] =	vst v63  }
0x12: {  	_ =	swait.ge [sflag:s7], $0x200  }
0x13: {  	[sflag:s7] =	ssyncset.done $0x0  }
0x14: {  	s11 =	simm.s32 $0x0;
	[sflag:s7] =	ssyncadd.s32 $0xFFFFFE00  }
0x15: {  	v5 =	vld [tilespmem:s11+$0x0];
	_ =	sdelay $0x1  }
0x16: {  	v8 =	vld [tilespmem:$0x1240]  }
0x17: {  	v9 =	vld [tilespmem:$0x1250];
	_ =	sdelay $0x1  }
0x18: {  	v11 =	vld [tilespmem:$0x1200];
	v24 =	vperm.xlane v5, v61  }
0x19: {  	v12 =	vld [tilespmem:$0x1210]  }
0x1a: {  	v5 =	vsub.f32 v24, v8  }
0x1b: {  	v14 =	vld [tilespmem:$0x1220];
	v6 =	vsub.f32 v24, v9  }
0x1c: {  	v16 =	vld [tilespmem:$0x11C0];
	v5 =	vand.u32 $0x7FFFFFFF, v5  }
0x1d: {  	v0 =	vld [tilespmem:$0x1260];
	v7 =	vsub.f32 v24, v11;
	v6 =	vand.u32 $0x7FFFFFFF, v6;
	v5 =	vmul.f32 $-2.000000000e+01, v5  }
0x1e: {  	v28 =	vld [tilespmem:$0x1180];
	v10 =	vsub.f32 v24, v12;
	v6 =	vmul.f32 $-2.000000000e+01, v6  }
0x1f: {  	v31 =	vld [tilespmem:$0x1150];
	v7 =	vand.u32 $0x7FFFFFFF, v7;
	v13 =	vmul.f32 $1.442695020e+00, v5  }
0x20: {  	v49 =	vld [tilespmem:$0x1080];
	v7 =	vmul.f32 $-2.000000000e+01, v7;
	v5 =	vand.u32 $0x7FFFFFFF, v10;
	v10 =	vmul.f32 $1.442695020e+00, v6  }
0x21: {  	v1 =	vld [tilespmem:$0x1270];
	v17 =	vsub.f32 v24, v14;
	v15 =	vmul.f32 $-2.000000000e+01, v5;
	(erf) = vpow2.f32 v13  }
0x22: {  	v38 =	vld [tilespmem:$0x1110];
	v7 =	vmul.f32 $1.442695020e+00, v7;
	(erf) = vpow2.f32 v10;
	v10 =	vsub.f32 v24, v16  }
0x23: {  	v18 =	vsub.f32 v24, v28;
	v13 =	vmul.f32 $1.442695020e+00, v15;
	v15 =	vand.u32 $0x7FFFFFFF, v17  }
0x24: {  	v15 =	vmul.f32 $-2.000000000e+01, v15;
	(erf) = vpow2.f32 v7;
	v7 =	vand.u32 $0x7FFFFFFF, v10  }
0x25: {  	v54 =	vsub.f32 v24, v31;
	v57 =	vsub.f32 v24, v49;
	v7 =	vmul.f32 $-2.000000000e+01, v7  }
0x26: {  	(erf) = vpow2.f32 v13;
	v13 =	vsub.f32 v24, v0;
	v10 =	vmul.f32 $1.442695020e+00, v15  }
0x27: {  	v51 =	vsub.f32 v24, v38;
	v15 =	vsub.f32 v24, v1;
	v17 =	vmul.f32 $1.442695020e+00, v7;
	v7 =	vld [tilespmem:$0x1230]  }
0x28: {  	v18 =	vand.u32 $0x7FFFFFFF, v18;
	v13 =	vand.u32 $0x7FFFFFFF, v13;
	(erf) = vpow2.f32 v10  }
0x29: {  	v13 =	vmul.f32 $-2.000000000e+01, v13;
	v10 =	vand.u32 $0x7FFFFFFF, v15;
	v15 =	vld [tilespmem:$0x11D0];
	(erf) = vpow2.f32 v17  }
0x2a: {  	v55 =	vand.u32 $0x7FFFFFFF, v54;
	v18 =	vmul.f32 $-2.000000000e+01, v18;
	v19 =	vmul.f32 $-2.000000000e+01, v10;
	v10 =	vld [tilespmem:$0x11E0]  }
0x2b: {  	v58 =	vand.u32 $0x7FFFFFFF, v57;
	v44 =	vmul.f32 $-2.000000000e+01, v55;
	v13 =	vmul.f32 $1.442695020e+00, v13  }
0x2c: {  	v60 =	vmul.f32 $-2.000000000e+01, v58;
	v19 =	vmul.f32 $1.442695020e+00, v19;
	v20 =	vsub.f32 v24, v7  }
0x2d: {  	v39 =	vld [tilespmem:$0x1140];
	v51 =	vand.u32 $0x7FFFFFFF, v51;
	v18 =	vmul.f32 $1.442695020e+00, v18;
	v25 =	vpop (erf);
	(erf) = vpow2.f32 v13  }
0x2e: {  	v22 =	vld [tilespmem:$0x1190];
	v17 =	vpop (erf);
	(erf) = vpow2.f32 v19;
	v19 =	vsub.f32 v24, v15;
	v20 =	vand.u32 $0x7FFFFFFF, v20  }
0x2f: {  	v55 =	vmul.f32 $-2.000000000e+01, v51;
	v13 =	vld [tilespmem:$0x11F0];
	v27 =	vpop (erf);
	v21 =	vsub.f32 v24, v10;
	(erf) = vpow2.f32 v18  }
0x30: {  	v45 =	vld [tilespmem:$0x1100];
	v8 =	vmul.f32 v25, v8;
	v23 =	vpop (erf);
	v19 =	vand.u32 $0x7FFFFFFF, v19;
	v26 =	vmul.f32 $-2.000000000e+01, v20  }
0x31: {  	v9 =	vmul.f32 v17, v9;
	v18 =	vmul.f32 $-2.000000000e+01, v19;
	v19 =	vand.u32 $0x7FFFFFFF, v21;
	v20 =	vpop (erf)  }
0x32: {  	v21 =	vsub.f32 v24, v39;
	v30 =	vmul.f32 $-2.000000000e+01, v19;
	v29 =	vmul.f32 $1.442695020e+00, v26;
	v35 =	vpop (erf)  }
0x33: {  	v33 =	vsub.f32 v24, v22;
	v32 =	vmul.f32 v35, v16;
	v16 =	vmul.f32 $1.442695020e+00, v18  }
0x34: {  	v26 =	vmul.f32 $1.442695020e+00, v30;
	v30 =	vsub.f32 v24, v13;
	v18 =	vand.u32 $0x7FFFFFFF, v21  }
0x35: {  	v48 =	vld [tilespmem:$0x10C0];
	v34 =	vsub.f32 v24, v45;
	v18 =	vmul.f32 $-2.000000000e+01, v18;
	(erf) = vpow2.f32 v16  }
0x36: {  	v19 =	vld [tilespmem:$0x11A0];
	v30 =	vand.u32 $0x7FFFFFFF, v30;
	v5 =	vpop (erf);
	(erf) = vpow2.f32 v26;
	v26 =	vand.u32 $0x7FFFFFFF, v33  }
0x37: {  	v37 =	vmul.f32 $-2.000000000e+01, v30;
	v6 =	vpop (erf);
	v30 =	vand.u32 $0x7FFFFFFF, v34;
	v33 =	vmul.f32 $-2.000000000e+01, v26  }
0x38: {  	v21 =	vld [tilespmem:$0x11B0];
	v36 =	vmul.f32 $1.442695020e+00, v18;
	v30 =	vmul.f32 $-2.000000000e+01, v30;
	v43 =	vpop (erf)  }
0x39: {  	v41 =	vmul.f32 v43, v28;
	v28 =	vmul.f32 $1.442695020e+00, v33  }
0x3a: {  	v53 =	vsub.f32 v24, v48;
	v26 =	vld [tilespmem:$0x1160];
	(erf) = vpow2.f32 v36;
	v30 =	vmul.f32 $1.442695020e+00, v30  }
0x3b: {  	v11 =	vmul.f32 v27, v11;
	v47 =	vsub.f32 v24, v19;
	(erf) = vpow2.f32 v28  }
0x3c: {  	v12 =	vmul.f32 v23, v12;
	(erf) = vpow2.f32 v30  }
0x3d: {  	v52 =	vand.u32 $0x7FFFFFFF, v47;
	v40 =	vsub.f32 v24, v21;
	v28 =	vand.u32 $0x7FFFFFFF, v53;
	v30 =	vld [tilespmem:$0x1170]  }
0x3e: {  	v33 =	vmul.f32 $-2.000000000e+01, v52;
	v28 =	vmul.f32 $-2.000000000e+01, v28  }
0x3f: {  	v56 =	vand.u32 $0x7FFFFFFF, v40;
	v40 =	vmul.f32 $1.442695020e+00, v44;
	v47 =	vsub.f32 v24, v26  }
0x40: {  	v42 =	vmul.f32 $1.442695020e+00, v33;
	v33 =	vld [tilespmem:$0x1120];
	v50 =	vmul.f32 $1.442695020e+00, v28  }
0x41: {  	v46 =	vmul.f32 $-2.000000000e+01, v56;
	v56 =	vmul.f32 $1.442695020e+00, v60;
	v36 =	vpop (erf);
	v59 =	vand.u32 $0x7FFFFFFF, v47  }
0x42: {  	v34 =	vld [tilespmem:$0x1130];
	v61 =	vmul.f32 $-2.000000000e+01, v59;
	v28 =	vpop (erf);
	(erf) = vpow2.f32 v50;
	v53 =	vsub.f32 v24, v30  }
0x43: {  	v14 =	vmul.f32 v20, v14;
	v44 =	vld [tilespmem:$0x10D0];
	v52 =	vpop (erf);
	(erf) = vpow2.f32 v40  }
0x44: {  	[tilespmem:$0x1FFE0] =	vst v0;
	v47 =	vld [tilespmem:$0x1090];
	v51 =	vmul.f32 $1.442695020e+00, v61;
	v50 =	vmul.f32 v52, v39;
	v53 =	vand.u32 $0x7FFFFFFF, v53;
	v39 =	vpop (erf)  }
0x45: {  	s12 =	simm.s32 $0x4;
	[tilespmem:$0x1FFF0] =	vst v1;
	v54 =	vsub.f32 v24, v33;
	v40 =	vld [tilespmem:$0x10E0];
	v53 =	vmul.f32 $-2.000000000e+01, v53;
	(erf) = vpow2.f32 v56;
	v56 =	vpop (erf)  }
.LBB2_2:
0x46: {  	_ =	sdelay $0x1  }
0x47: {  	v58 =	vmul.f32 v56, v45;
	v57 =	vsub.f32 v24, v44  }
0x48: {  	v46 =	vmul.f32 $1.442695020e+00, v46;
	v45 =	vmul.f32 $1.442695020e+00, v55;
	v55 =	vld [tilespmem:$0x10A0]  }
0x49: {  	v16 =	vmovc v8;
	v8 =	vmovc v3;
	v15 =	vmul.f32 v36, v15;
	v60 =	vand.u32 $0x7FFFFFFF, v54;
	v54 =	vld [tilespmem:$0x10B0];
	v57 =	vand.u32 $0x7FFFFFFF, v57  }
0x4a: {  	v3 =	vmovc v62;
	v18 =	vmovc v9;
	v59 =	vsub.f32 v24, v47;
	v61 =	vsub.f32 v24, v34;
	v57 =	vmul.f32 $-2.000000000e+01, v57  }
0x4b: {  	v9 =	vmovc v4;
	v4 =	vmovc v63;
	v60 =	vmul.f32 $-2.000000000e+01, v60;
	(erf) = vpow2.f32 v45;
	v45 =	vld [tilespmem:$0x10F0];
	v62 =	vsub.f32 v24, v40  }
0x4c: {  	v63 =	vpop (erf);
	v59 =	vand.u32 $0x7FFFFFFF, v59;
	v61 =	vand.u32 $0x7FFFFFFF, v61;
	v57 =	vmul.f32 $1.442695020e+00, v57  }
0x4d: {  	v48 =	vmul.f32 v63, v48;
	v0 =	vsub.f32 v24, v55;
	v59 =	vmul.f32 $-2.000000000e+01, v59  }
0x4e: {  	v62 =	vand.u32 $0x7FFFFFFF, v62;
	v2 =	vsub.f32 v24, v54;
	v61 =	vmul.f32 $-2.000000000e+01, v61  }
0x4f: {  	v1 =	vpop (erf);
	v62 =	vmul.f32 $-2.000000000e+01, v62;
	v0 =	vand.u32 $0x7FFFFFFF, v0;
	v59 =	vmul.f32 $1.442695020e+00, v59  }
0x50: {  	v24 =	vsub.f32 v24, v45;
	v2 =	vand.u32 $0x7FFFFFFF, v2;
	(erf) = vpow2.f32 v57;
	v57 =	vpop (erf)  }
0x51: {  	v0 =	vmul.f32 $-2.000000000e+01, v0;
	(erf) = vpow2.f32 v59;
	v59 =	vadd.f32 $0.0e+00, v57  }
0x52: {  	v2 =	vmul.f32 $-2.000000000e+01, v2;
	v49 =	vmul.f32 v57, v49  }
0x53: {  	v62 =	vmul.f32 $1.442695020e+00, v62;
	v24 =	vand.u32 $0x7FFFFFFF, v24;
	v0 =	vmul.f32 $1.442695020e+00, v0  }
0x54: {  	v24 =	vmul.f32 $-2.000000000e+01, v24;
	v57 =	vadd.f32 v63, v59;
	v49 =	vadd.f32 $0.0e+00, v49  }
0x55: {  	v2 =	vmul.f32 $1.442695020e+00, v2;
	v59 =	vpop (erf);
	(erf) = vpow2.f32 v0  }
0x56: {  	v24 =	vmul.f32 $1.442695020e+00, v24;
	v56 =	vadd.f32 v56, v57;
	v0 =	vadd.f32 v48, v49  }
0x57: {  	(erf) = vpow2.f32 v2;
	v2 =	vmul.f32 $1.442695020e+00, v60  }
0x58: {  	v56 =	vadd.f32 v52, v56;
	(erf) = vpow2.f32 v62;
	v0 =	vadd.f32 v58, v0  }
0x59: {  	v57 =	vmul.f32 $1.442695020e+00, v61;
	v58 =	vpop (erf);
	(erf) = vpow2.f32 v24  }
0x5a: {  	v43 =	vadd.f32 v43, v56;
	v60 =	vpop (erf);
	(erf) = vpow2.f32 v2;
	v0 =	vadd.f32 v50, v0  }
0x5b: {  	v24 =	vmul.f32 $1.442695020e+00, v53;
	v2 =	vadd.f32 $0.0e+00, v60;
	(erf) = vpow2.f32 v57  }
0x5c: {  	v35 =	vadd.f32 v35, v43;
	(erf) = vpow2.f32 v51;
	v0 =	vadd.f32 v41, v0  }
0x5d: {  	v62 =	vmovc v3;
	v3 =	vmovc v8;
	v2 =	vadd.f32 v58, v2;
	(erf) = vpow2.f32 v24;
	v24 =	vmul.f32 $1.442695020e+00, v37  }
0x5e: {  	v8 =	vadd.f32 v27, v35;
	(erf) = vpow2.f32 v42;
	v0 =	vadd.f32 v32, v0;
	v32 =	vpop (erf)  }
0x5f: {  	v2 =	vadd.f32 v59, v2;
	(erf) = vpow2.f32 v46;
	v53 =	vadd.f32 $0.0e+00, v32  }
0x60: {  	v51 =	vmul.f32 v60, v47;
	v25 =	vadd.f32 v25, v8;
	v27 =	vpop (erf);
	v0 =	vadd.f32 v11, v0  }
0x61: {  	v56 =	vadd.f32 $0.0e+00, v27;
	v2 =	vadd.f32 v1, v2;
	v57 =	vpop (erf);
	(erf) = vpow2.f32 v24  }
0x62: {  	v58 =	vmul.f32 v58, v44;
	v24 =	vadd.f32 $0.0e+00, v51;
	v8 =	vadd.f32 v57, v53;
	v60 =	vpop (erf)  }
0x63: {  	v41 =	vadd.f32 v60, v56;
	v2 =	vadd.f32 v39, v2;
	v48 =	vpop (erf);
	(erf) = vpow2.f32 v29  }
0x64: {  	v24 =	vadd.f32 v58, v24;
	v29 =	vmul.f32 v59, v38;
	v49 =	vadd.f32 v48, v8;
	v50 =	vpop (erf)  }
0x65: {  	v22 =	vmul.f32 v39, v22;
	v51 =	vadd.f32 v50, v41;
	v2 =	vadd.f32 v36, v2;
	v52 =	vpop (erf)  }
0x66: {  	v1 =	vmul.f32 v1, v31;
	v24 =	vadd.f32 v29, v24;
	v8 =	vadd.f32 v52, v49;
	v31 =	vpop (erf)  }
0x67: {  	v27 =	vmul.f32 v27, v54;
	v53 =	vadd.f32 v31, v51;
	v2 =	vadd.f32 v23, v2;
	v23 =	vpop (erf)  }
0x68: {  	v32 =	vmul.f32 v32, v55;
	v1 =	vadd.f32 v1, v24;
	v24 =	vadd.f32 v23, v8;
	v29 =	vpop (erf)  }
0x69: {  	v54 =	vmul.f32 v57, v40;
	v27 =	vadd.f32 $0.0e+00, v27;
	v35 =	vadd.f32 v29, v53  }
0x6a: {  	v56 =	vmul.f32 v60, v45;
	v2 =	vadd.f32 v17, v2;
	v17 =	vadd.f32 $0.0e+00, v32;
	v55 =	vpop (erf)  }
0x6b: {  	v57 =	vmul.f32 v48, v33;
	v8 =	vadd.f32 v28, v24;
	v35 =	vadd.f32 v55, v35  }
0x6c: {  	v27 =	vadd.f32 v56, v27;
	v58 =	vmul.f32 v50, v34;
	v17 =	vadd.f32 v54, v17;
	v24 =	vpop (erf)  }
0x6d: {  	v26 =	vmul.f32 v52, v26;
	v20 =	vadd.f32 v20, v8;
	v8 =	vld [tilespmem:$0x1FFE0];
	v59 =	vadd.f32 v24, v35  }
0x6e: {  	v27 =	vadd.f32 v58, v27;
	v30 =	vmul.f32 v31, v30;
	v17 =	vadd.f32 v57, v17  }
0x6f: {  	v10 =	vmul.f32 v28, v10;
	v20 =	vadd.f32 v5, v20;
	v31 =	vadd.f32 v6, v59  }
0x70: {  	v19 =	vmul.f32 v23, v19;
	v23 =	vadd.f32 v30, v27;
	v17 =	vadd.f32 v26, v17  }
0x71: {  	v21 =	vmul.f32 v29, v21;
	v2 =	vadd.f32 v2, v25;
	v20 =	vadd.f32 v31, v20  }
0x72: {  	v1 =	vadd.f32 v22, v1;
	v17 =	vadd.f32 v19, v17;
	v5 =	vmul.f32 v5, v8;
	v8 =	vld [tilespmem:$0x1FFF0]  }
0x73: {  	v13 =	vmul.f32 v55, v13;
	v19 =	vadd.f32 v21, v23;
	v2 =	vadd.f32 v20, v2  }
0x74: {  	v1 =	vadd.f32 v15, v1;
	v10 =	vadd.f32 v10, v17  }
0x75: {  	v7 =	vmul.f32 v24, v7;
	v13 =	vadd.f32 v13, v19;
	v11 =	vperm.xlane v2, v62  }
0x76: {  	v1 =	vadd.f32 v12, v1;
	v10 =	vadd.f32 v14, v10  }
0x77: {  	v7 =	vadd.f32 v7, v13;
	v6 =	vmul.f32 v6, v8;
	v2 =	vadd.f32 v2, v11  }
0x78: {  	v63 =	vmov v4;
	v0 =	vadd.f32 v16, v0;
	v1 =	vadd.f32 v18, v1  }
0x79: {  	v5 =	vadd.f32 v5, v10;
	v6 =	vadd.f32 v6, v7;
	v7 =	vperm.xlane v2, v63  }
0x7a: {  	v0 =	vadd.f32 v1, v0  }
0x7b: {  	v1 =	vadd.f32 v6, v5;
	v2 =	vadd.f32 v2, v7;
	_ =	sdelay $0x1  }
0x7c: {  	v0 =	vadd.f32 v1, v0;
	v1 =	vperm.xlane v2, v3;
	_ =	sdelay $0x1  }
0x7d: {  	v5 =	vperm.xlane v0, v62;
	v1 =	vadd.f32 v2, v1;
	_ =	sdelay $0x1  }
0x7e: {  	v0 =	vadd.f32 v0, v5;
	v2 =	vperm.xlane v1, v9;
	_ =	sdelay $0x1  }
0x7f: {  	v5 =	vperm.xlane v0, v63;
	v1 =	vadd.f32 v1, v2;
	_ =	sdelay $0x1  }
0x80: {  	v0 =	vadd.f32 v0, v5;
	(erf) = vrcp.f32 v1;
	_ =	sdelay $0x1  }
0x81: {  	v1 =	vperm.xlane v0, v3;
	_ =	sdelay $0x1  }
0x82: {  	v0 =	vadd.f32 v0, v1;
	_ =	sdelay $0x1  }
0x83: {  	v2 =	vperm.xlane v0, v9;
	_ =	sdelay $0x1  }
0x84: {  	v0 =	vadd.f32 v0, v2  }
0x85: {  	s13 =	sshra.s32 s12, $0x2;
	v1 =	vpop (erf)  }
0x86: {  	v0 =	vmul.f32 v1, v0;
	v1 =	vld [tilespmem:s13+$0x0];
	_ =	sdelay $0x1  }
0x87: {  	[tilespmem:s11+$0x1280] =	vst v0  }
0x88: {  	v0 =	vld [tilespmem:$0x1240]  }
0x89: {  	v61 =	vimm.s32 $0x0;
	v2 =	vld [tilespmem:$0x1250]  }
0x8a: {  	v24 =	vperm.xlane v1, v61;
	v1 =	vld [tilespmem:$0x1200]  }
0x8b: {  	v12 =	vld [tilespmem:$0x1210];
	_ =	sdelay $0x1  }
0x8c: {  	v5 =	vsub.f32 v24, v0  }
0x8d: {  	v6 =	vsub.f32 v24, v2  }
0x8e: {  	v14 =	vld [tilespmem:$0x1220];
	v5 =	vand.u32 $0x7FFFFFFF, v5;
	v7 =	vsub.f32 v24, v1  }
0x8f: {  	v16 =	vld [tilespmem:$0x11C0];
	v8 =	vsub.f32 v24, v12;
	v6 =	vand.u32 $0x7FFFFFFF, v6;
	v5 =	vmul.f32 $-2.000000000e+01, v5  }
0x90: {  	v6 =	vmul.f32 $-2.000000000e+01, v6;
	v7 =	vand.u32 $0x7FFFFFFF, v7  }
0x91: {  	v4 =	vmovc v9;
	v28 =	vld [tilespmem:$0x1180];
	v9 =	vmul.f32 $1.442695020e+00, v5;
	v7 =	vmul.f32 $-2.000000000e+01, v7;
	v5 =	vand.u32 $0x7FFFFFFF, v8  }
0x92: {  	v8 =	vmul.f32 $1.442695020e+00, v6;
	v10 =	vmul.f32 $-2.000000000e+01, v5;
	v5 =	vld [tilespmem:$0x1260]  }
0x93: {  	v11 =	vsub.f32 v24, v14;
	v6 =	vld [tilespmem:$0x1270];
	(erf) = vpow2.f32 v9;
	v7 =	vmul.f32 $1.442695020e+00, v7  }
0x94: {  	(erf) = vpow2.f32 v8;
	v8 =	vsub.f32 v24, v16;
	v9 =	vmul.f32 $1.442695020e+00, v10  }
0x95: {  	v10 =	vand.u32 $0x7FFFFFFF, v11;
	(erf) = vpow2.f32 v7  }
0x96: {  	v10 =	vmul.f32 $-2.000000000e+01, v10;
	v7 =	vand.u32 $0x7FFFFFFF, v8;
	(erf) = vpow2.f32 v9  }
0x97: {  	v13 =	vsub.f32 v24, v28;
	v7 =	vmul.f32 $-2.000000000e+01, v7;
	v9 =	vsub.f32 v24, v5  }
0x98: {  	v8 =	vmul.f32 $1.442695020e+00, v10;
	v10 =	vsub.f32 v24, v6  }
0x99: {  	v13 =	vand.u32 $0x7FFFFFFF, v13;
	v11 =	vmul.f32 $1.442695020e+00, v7;
	v9 =	vand.u32 $0x7FFFFFFF, v9;
	v7 =	vld [tilespmem:$0x1230]  }
0x9a: {  	v15 =	vld [tilespmem:$0x11D0];
	(erf) = vpow2.f32 v8;
	v8 =	vmul.f32 $-2.000000000e+01, v9;
	v9 =	vand.u32 $0x7FFFFFFF, v10  }
0x9b: {  	v13 =	vmul.f32 $-2.000000000e+01, v13;
	v10 =	vld [tilespmem:$0x11E0];
	v9 =	vmul.f32 $-2.000000000e+01, v9  }
0x9c: {  	(erf) = vpow2.f32 v11;
	v25 =	vpop (erf);
	v11 =	vmul.f32 $1.442695020e+00, v8  }
0x9d: {  	v60 =	vld [tilespmem:$0x1140];
	v17 =	vpop (erf);
	v8 =	vmul.f32 v25, v0;
	v0 =	vmul.f32 $1.442695020e+00, v9  }
0x9e: {  	v27 =	vpop (erf);
	(erf) = vpow2.f32 v11;
	v18 =	vsub.f32 v24, v7;
	v9 =	vmul.f32 v17, v2  }
0x9f: {  	v22 =	vld [tilespmem:$0x1190];
	v2 =	vsub.f32 v24, v15;
	v23 =	vpop (erf);
	(erf) = vpow2.f32 v0;
	v0 =	vmul.f32 $1.442695020e+00, v13  }
0xa0: {  	v11 =	vmul.f32 v27, v1;
	v1 =	vsub.f32 v24, v10;
	v13 =	vld [tilespmem:$0x11F0];
	v18 =	vand.u32 $0x7FFFFFFF, v18  }
0xa1: {  	v45 =	vld [tilespmem:$0x1100];
	v2 =	vand.u32 $0x7FFFFFFF, v2;
	v18 =	vmul.f32 $-2.000000000e+01, v18;
	(erf) = vpow2.f32 v0  }
0xa2: {  	v0 =	vmul.f32 $-2.000000000e+01, v2;
	v1 =	vand.u32 $0x7FFFFFFF, v1;
	v2 =	vsub.f32 v24, v60  }
0xa3: {  	v19 =	vld [tilespmem:$0x11A0];
	v1 =	vmul.f32 $-2.000000000e+01, v1  }
0xa4: {  	v21 =	vld [tilespmem:$0x11B0];
	v29 =	vmul.f32 $1.442695020e+00, v18;
	v0 =	vmul.f32 $1.442695020e+00, v0;
	v2 =	vand.u32 $0x7FFFFFFF, v2  }
0xa5: {  	v49 =	vld [tilespmem:$0x1080];
	v20 =	vpop (erf);
	v1 =	vmul.f32 $1.442695020e+00, v1;
	v18 =	vsub.f32 v24, v13;
	v2 =	vmul.f32 $-2.000000000e+01, v2  }
0xa6: {  	v26 =	vsub.f32 v24, v22;
	v35 =	vpop (erf);
	(erf) = vpow2.f32 v0;
	v0 =	vsub.f32 v24, v45  }
0xa7: {  	v48 =	vld [tilespmem:$0x10C0];
	[tilespmem:$0x1FFE0] =	vst v5;
	v30 =	vand.u32 $0x7FFFFFFF, v18;
	v5 =	vpop (erf);
	(erf) = vpow2.f32 v1;
	v1 =	vmul.f32 $1.442695020e+00, v2  }
0xa8: {  	v31 =	vld [tilespmem:$0x1150];
	v2 =	vand.u32 $0x7FFFFFFF, v26;
	v37 =	vmul.f32 $-2.000000000e+01, v30;
	v0 =	vand.u32 $0x7FFFFFFF, v0  }
0xa9: {  	v30 =	vsub.f32 v24, v19;
	v2 =	vmul.f32 $-2.000000000e+01, v2;
	v0 =	vmul.f32 $-2.000000000e+01, v0  }
0xaa: {  	v56 =	vsub.f32 v24, v21;
	v57 =	vsub.f32 v24, v49;
	[tilespmem:$0x1FFF0] =	vst v6;
	v6 =	vpop (erf);
	(erf) = vpow2.f32 v1  }
0xab: {  	v43 =	vpop (erf);
	v1 =	vmul.f32 $1.442695020e+00, v2;
	v2 =	vand.u32 $0x7FFFFFFF, v30;
	v0 =	vmul.f32 $1.442695020e+00, v0  }
0xac: {  	v26 =	vld [tilespmem:$0x1160];
	v41 =	vmul.f32 v43, v28;
	v28 =	vsub.f32 v24, v48;
	v2 =	vmul.f32 $-2.000000000e+01, v2  }
0xad: {  	v38 =	vld [tilespmem:$0x1110];
	v12 =	vmul.f32 v23, v12;
	v30 =	vsub.f32 v24, v31;
	(erf) = vpow2.f32 v1  }
0xae: {  	v1 =	vand.u32 $0x7FFFFFFF, v28;
	v42 =	vmul.f32 $1.442695020e+00, v2;
	(erf) = vpow2.f32 v0  }
0xaf: {  	v2 =	vand.u32 $0x7FFFFFFF, v56;
	v0 =	vmul.f32 $-2.000000000e+01, v1;
	v1 =	vand.u32 $0x7FFFFFFF, v30;
	v30 =	vld [tilespmem:$0x1170]  }
0xb0: {  	v14 =	vmul.f32 v20, v14;
	v46 =	vmul.f32 $-2.000000000e+01, v2;
	v2 =	vand.u32 $0x7FFFFFFF, v57  }
0xb1: {  	v58 =	vsub.f32 v24, v26;
	v1 =	vmul.f32 $-2.000000000e+01, v1;
	v2 =	vmul.f32 $-2.000000000e+01, v2  }
0xb2: {  	p0 =	sne.s32 s12, $0x3FFC;
	v33 =	vld [tilespmem:$0x1120];
	v59 =	vsub.f32 v24, v38;
	v32 =	vmul.f32 v35, v16;
	v36 =	vpop (erf);
	v0 =	vmul.f32 $1.442695020e+00, v0  }
.Ltmp0:
0xb3: {  	v40 =	vand.u32 $0x7FFFFFFF, v58;
	v28 =	vpop (erf);
	v1 =	vmul.f32 $1.442695020e+00, v1;
	v2 =	vmul.f32 $1.442695020e+00, v2;
	(pc) =	sbr.rel @p0 .LBB2_2-.Ltmp0, $4  }
0xb4: {  	v34 =	vld [tilespmem:$0x1130];
	(erf) = vpow2.f32 v0;
	v52 =	vpop (erf);
	v0 =	vmul.f32 $-2.000000000e+01, v40;
	v16 =	vsub.f32 v24, v30  }
0xb5: {  	v44 =	vld [tilespmem:$0x10D0];
	v50 =	vmul.f32 v52, v60;
	v60 =	vand.u32 $0x7FFFFFFF, v59;
	(erf) = vpow2.f32 v1  }
0xb6: {  	v47 =	vld [tilespmem:$0x1090];
	v55 =	vmul.f32 $-2.000000000e+01, v60;
	v51 =	vmul.f32 $1.442695020e+00, v0;
	v0 =	vand.u32 $0x7FFFFFFF, v16;
	v39 =	vpop (erf)  }
0xb7: {  	s12 =	sadd.s32 $0x4, s12;
	s11 =	smov.u32 s13;
	v54 =	vsub.f32 v24, v33;
	v40 =	vld [tilespmem:$0x10E0];
	(erf) = vpow2.f32 v2;
	v53 =	vmul.f32 $-2.000000000e+01, v0;
	v56 =	vpop (erf)  }
0xb8: {  	_ =	sdelay $0x2  }
0xb9: {  	v1 =	vsub.f32 v24, v47  }
0xba: {  	v2 =	vld [tilespmem:$0x10A0];
	v0 =	vsub.f32 v24, v44  }
0xbb: {  	v1 =	vand.u32 $0x7FFFFFFF, v1  }
0xbc: {  	v0 =	vand.u32 $0x7FFFFFFF, v0;
	v1 =	vmul.f32 $-2.000000000e+01, v1  }
0xbd: {  	v57 =	vld [tilespmem:$0x10B0];
	v55 =	vmul.f32 $1.442695020e+00, v55;
	v0 =	vmul.f32 $-2.000000000e+01, v0  }
0xbe: {  	v45 =	vmul.f32 v56, v45;
	v1 =	vmul.f32 $1.442695020e+00, v1  }
0xbf: {  	v46 =	vmul.f32 $1.442695020e+00, v46;
	v58 =	vsub.f32 v24, v2;
	v0 =	vmul.f32 $1.442695020e+00, v0  }
0xc0: {  	v37 =	vmul.f32 $1.442695020e+00, v37;
	(erf) = vpow2.f32 v55;
	v16 =	vpop (erf)  }
0xc1: {  	v54 =	vand.u32 $0x7FFFFFFF, v54;
	v59 =	vpop (erf);
	v58 =	vand.u32 $0x7FFFFFFF, v58;
	(erf) = vpow2.f32 v0  }
0xc2: {  	v60 =	vsub.f32 v24, v57;
	v58 =	vmul.f32 $-2.000000000e+01, v58;
	(erf) = vpow2.f32 v1;
	v1 =	vpop (erf)  }
0xc3: {  	v54 =	vmul.f32 $-2.000000000e+01, v54;
	v0 =	vld [tilespmem:$0x10F0];
	v49 =	vmul.f32 v1, v49;
	v1 =	vadd.f32 $0.0e+00, v1  }
0xc4: {  	v18 =	vsub.f32 v24, v40;
	v60 =	vand.u32 $0x7FFFFFFF, v60;
	v58 =	vmul.f32 $1.442695020e+00, v58  }
0xc5: {  	v48 =	vmul.f32 v16, v48;
	v60 =	vmul.f32 $-2.000000000e+01, v60;
	v1 =	vadd.f32 v16, v1  }
0xc6: {  	(erf) = vpow2.f32 v58;
	v58 =	vand.u32 $0x7FFFFFFF, v18;
	v49 =	vadd.f32 $0.0e+00, v49  }
0xc7: {  	v18 =	vsub.f32 v24, v34;
	v16 =	vmul.f32 $1.442695020e+00, v60;
	v1 =	vadd.f32 v56, v1  }
0xc8: {  	v31 =	vmul.f32 v59, v31;
	v56 =	vsub.f32 v24, v0;
	v48 =	vadd.f32 v48, v49  }
0xc9: {  	v49 =	vmul.f32 $-2.000000000e+01, v58;
	(erf) = vpow2.f32 v16;
	v24 =	vand.u32 $0x7FFFFFFF, v18  }
0xca: {  	v18 =	vmul.f32 $1.442695020e+00, v54;
	v24 =	vmul.f32 $-2.000000000e+01, v24;
	v56 =	vand.u32 $0x7FFFFFFF, v56  }
0xcb: {  	v1 =	vadd.f32 v52, v1;
	v45 =	vadd.f32 v45, v48;
	v60 =	vmul.f32 $-2.000000000e+01, v56  }
0xcc: {  	v49 =	vmul.f32 $1.442695020e+00, v49;
	v24 =	vmul.f32 $1.442695020e+00, v24  }
0xcd: {  	v48 =	vpop (erf);
	v1 =	vadd.f32 v43, v1;
	v58 =	vadd.f32 v50, v45;
	v16 =	vmul.f32 $1.442695020e+00, v60  }
0xce: {  	(erf) = vpow2.f32 v49;
	v56 =	vpop (erf);
	v38 =	vmul.f32 v48, v38  }
0xcf: {  	v1 =	vadd.f32 v35, v1;
	v43 =	vadd.f32 v41, v58;
	(erf) = vpow2.f32 v16;
	v60 =	vpop (erf)  }
0xd0: {  	v16 =	vmul.f32 $1.442695020e+00, v53;
	(erf) = vpow2.f32 v18;
	v18 =	vadd.f32 $0.0e+00, v60  }
0xd1: {  	v1 =	vadd.f32 v27, v1;
	v47 =	vmul.f32 v60, v47;
	v49 =	vpop (erf);
	(erf) = vpow2.f32 v24  }
0xd2: {  	v50 =	vadd.f32 $0.0e+00, v49;
	(erf) = vpow2.f32 v51;
	v24 =	vadd.f32 v56, v18  }
0xd3: {  	v51 =	vmul.f32 v56, v44;
	v35 =	vadd.f32 $0.0e+00, v47;
	(erf) = vpow2.f32 v16  }
0xd4: {  	v2 =	vmul.f32 v49, v2;
	(erf) = vpow2.f32 v42;
	v24 =	vadd.f32 v48, v24  }
0xd5: {  	v52 =	vpop (erf);
	v1 =	vadd.f32 v25, v1;
	v35 =	vadd.f32 v51, v35;
	(erf) = vpow2.f32 v46  }
0xd6: {  	v53 =	vadd.f32 $0.0e+00, v52;
	v47 =	vmul.f32 v52, v57;
	v24 =	vadd.f32 v59, v24  }
0xd7: {  	v2 =	vadd.f32 $0.0e+00, v2;
	v54 =	vpop (erf);
	(erf) = vpow2.f32 v37;
	v35 =	vadd.f32 v38, v35  }
0xd8: {  	v27 =	vadd.f32 v54, v50;
	v49 =	vmul.f32 v54, v40;
	v55 =	vpop (erf);
	v24 =	vadd.f32 v39, v24  }
0xd9: {  	(erf) = vpow2.f32 v29;
	v45 =	vadd.f32 v31, v35;
	v25 =	vadd.f32 v55, v53;
	v56 =	vpop (erf)  }
0xda: {  	v22 =	vmul.f32 v39, v22;
	v2 =	vadd.f32 v49, v2;
	v35 =	vadd.f32 $0.0e+00, v47;
	v58 =	vpop (erf)  }
0xdb: {  	v0 =	vmul.f32 v55, v0;
	v27 =	vadd.f32 v56, v27;
	v25 =	vadd.f32 v58, v25;
	v60 =	vpop (erf)  }
0xdc: {  	v24 =	vadd.f32 v36, v24;
	v29 =	vmul.f32 v56, v33;
	v56 =	vadd.f32 v22, v45;
	v46 =	vpop (erf)  }
0xdd: {  	v27 =	vadd.f32 v60, v27;
	v25 =	vadd.f32 v46, v25;
	v48 =	vpop (erf)  }
0xde: {  	v0 =	vadd.f32 v0, v35;
	v52 =	vmul.f32 v58, v34;
	v23 =	vadd.f32 v23, v24;
	v50 =	vpop (erf)  }
0xdf: {  	v27 =	vadd.f32 v48, v27;
	v25 =	vadd.f32 v50, v25  }
0xe0: {  	v2 =	vadd.f32 v29, v2;
	v0 =	vadd.f32 v52, v0;
	v54 =	vmul.f32 v46, v30;
	v51 =	vpop (erf)  }
0xe1: {  	v26 =	vmul.f32 v60, v26;
	v27 =	vadd.f32 v28, v27;
	v25 =	vadd.f32 v51, v25  }
0xe2: {  	v17 =	vadd.f32 v17, v23;
	v0 =	vadd.f32 v54, v0;
	v55 =	vmul.f32 v50, v21;
	v53 =	vpop (erf)  }
0xe3: {  	v20 =	vadd.f32 v20, v27;
	v25 =	vadd.f32 v53, v25  }
0xe4: {  	v2 =	vadd.f32 v26, v2;
	v13 =	vmul.f32 v51, v13;
	v0 =	vadd.f32 v55, v0  }
0xe5: {  	v20 =	vadd.f32 v5, v20;
	v25 =	vadd.f32 v6, v25  }
0xe6: {  	v19 =	vmul.f32 v48, v19;
	v7 =	vmul.f32 v53, v7;
	v0 =	vadd.f32 v13, v0  }
0xe7: {  	v15 =	vmul.f32 v36, v15;
	v59 =	vld [tilespmem:$0x1FFE0];
	v1 =	vadd.f32 v17, v1;
	v20 =	vadd.f32 v25, v20  }
0xe8: {  	v10 =	vmul.f32 v28, v10;
	v2 =	vadd.f32 v19, v2;
	v0 =	vadd.f32 v7, v0;
	v7 =	vld [tilespmem:$0x1FFF0]  }
0xe9: {  	v32 =	vadd.f32 v32, v43;
	v1 =	vadd.f32 v20, v1  }
0xea: {  	v15 =	vadd.f32 v15, v56;
	v2 =	vadd.f32 v10, v2  }
0xeb: {  	v57 =	vadd.f32 v11, v32;
	v58 =	vperm.xlane v1, v62  }
0xec: {  	v12 =	vadd.f32 v12, v15;
	v2 =	vadd.f32 v14, v2  }
0xed: {  	v5 =	vmul.f32 v5, v59;
	v6 =	vmul.f32 v6, v7;
	v1 =	vadd.f32 v1, v58  }
0xee: {  	v60 =	vadd.f32 v9, v12;
	v7 =	vadd.f32 v8, v57  }
0xef: {  	v2 =	vadd.f32 v5, v2;
	v0 =	vadd.f32 v6, v0;
	v5 =	vperm.xlane v1, v63  }
0xf0: {  	v6 =	vadd.f32 v60, v7  }
0xf1: {  	v0 =	vadd.f32 v0, v2;
	v1 =	vadd.f32 v1, v5;
	_ =	sdelay $0x1  }
0xf2: {  	v0 =	vadd.f32 v0, v6;
	v2 =	vperm.xlane v1, v3;
	_ =	sdelay $0x1  }
0xf3: {  	v1 =	vadd.f32 v1, v2;
	v2 =	vperm.xlane v0, v62;
	_ =	sdelay $0x1  }
0xf4: {  	v0 =	vadd.f32 v0, v2;
	v2 =	vperm.xlane v1, v4;
	_ =	sdelay $0x1  }
0xf5: {  	v1 =	vadd.f32 v1, v2;
	v2 =	vperm.xlane v0, v63;
	_ =	sdelay $0x1  }
0xf6: {  	v0 =	vadd.f32 v0, v2  }
0xf7: {  	(erf) = vrcp.f32 v1  }
0xf8: {  	v1 =	vperm.xlane v0, v3;
	_ =	sdelay $0x1  }
0xf9: {  	v0 =	vadd.f32 v0, v1;
	_ =	sdelay $0x1  }
0xfa: {  	v1 =	vperm.xlane v0, v4;
	_ =	sdelay $0x2  }
0xfb: {  	v0 =	vadd.f32 v0, v1  }
0xfc: {  	v1 =	vpop (erf)  }
0xfd: {  	s10 =	sadd.s32 $0x1, s10;
	v0 =	vmul.f32 v1, v0  }
0xfe: {  	p0 =	sne.s32 s10, s6  }
.Ltmp1:
0xff: {  	[tilespmem:s11+$0x1280] =	vst v0;
	(pc) =	sbr.rel @p0 .LBB2_1-.Ltmp1, $4  }
0x100: {  	[hbm4b:s5+s2] =	stream.linear.scatter [tilespmem:s9], [sflag:$0x1], $0x1000, $0x38;
	[tilespmem:$0x2300] =	vst v63  }
0x101: {  	_ =	swait.ge [sflag:s7], $0x1000  }
0x102: {  	[sflag:s7] =	ssyncset.done $0x0  }
0x103: {  	[sflag:s7] =	ssyncadd.s32 $0xFFFFF000  }
0x104: {  	_ =	sfence.sel $0x180000  }
0x105: {  	[bflag:$0x0] =	sbarrier.arrive $0xFFFF  }
0x106: {  	p0 =	sne.s32 s3, $0x0;
	_ =	strace $0x90000047  }
0x107: {  	s0 =	sadd.s32 @!p0 $0x100000, s1;
	[bflag:$0x2] =	sbarrier.arrive $0xFFFF  }
0x108: {  	[sflag:s0] =	ssyncadd.tile.s32 @!p0 $0x1;
	_ =	shalt  }
.Lfunc_end2:
_tile_overlayer_lowered:
.L_overlay_start_2:
0x109: {  	(tag) =	ssettag $0x2  }
0x10a: {  	s0 =	rddreg [dreg:$0x0];
	s2 =	stileid.u32  }
0x10b: {  	s1 =	rddreg [dreg:$0x1];
	p0 =	sne.s32 s2, $0x0  }
0x10c: {  	s3 =	rddreg [dreg:$0x2];
	[bflag:$0x3] =	sbarrier.arrive $0xFFFF;
	s2 =	simm.s32 @!p0 $0x1C01  }
0x10d: {  	[timem:s3], [sflag:s2] =	dma.local @!p0 [hbm:s0], s1  }
0x10e: {  	s0 =	simm.s32 @!p0 $0x1  }
0x10f: {  	_ =	swait.ge @!p0 [sflag:s0], s1  }
0x110: {  	s1 =	ssub.s32 @!p0 $0x0, s1;
	[sflag:s0] =	ssyncset.done @!p0 $0x0  }
0x111: {  	[sflag:s0] =	ssyncadd.s32 @!p0 s1  }
0x112: {  	[bflag:$0x3] =	sbarrier.arrive $0xFFFF  }
0x113: {  	_ =	shalt  }

</sc_bundles>
